<compile_context>
chip_gen: v7x
topology: tpu7x:2x2x1
jax: 0.10.2.dev20260603
libtpu: 0.0.44.dev20260713+nightly
codegen_flags: <defaults>
</compile_context>

<pallas_src>
import functools

import jax
import jax.numpy as jnp
from jax import lax
from jax.experimental import pallas as pl
from jax.experimental.pallas import tpu as pltpu
from jax.experimental.pallas import tpu_sc as plsc

N_CORES = 2
N_SUBCORES = 16
NW = N_CORES * N_SUBCORES
BATCH = 16384
DIM = 64
B_PER_W = BATCH // NW
CHUNK = 128
N_CHUNKS = B_PER_W // CHUNK
GROUPS = CHUNK // 16

def _rsqrt16(x):
    x = jnp.maximum(x, jnp.float32(1e-24))
    i = plsc.bitcast(x, jnp.int32)
    i = jnp.int32(0x5F3759DF) - lax.shift_right_arithmetic(i, jnp.int32(1))
    y = plsc.bitcast(i, jnp.float32)
    half = jnp.float32(0.5) * x
    for _ in range(3):
        y = y * (jnp.float32(1.5) - half * y * y)
    return y


def _sc_body(h_hbm, r_hbm, t_hbm, ent_hbm, rel_hbm, out_hbm,
             idx_h, idx_r, idx_t, rows_h, rows_r, rows_t, out_v, sem):
    wid = lax.axis_index("s") * N_CORES + lax.axis_index("c")
    base = wid * B_PER_W

    for c in range(N_CHUNKS):
        off = base + c * CHUNK
        pltpu.sync_copy(h_hbm.at[pl.ds(off, CHUNK)], idx_h.at[c])
        pltpu.sync_copy(r_hbm.at[pl.ds(off, CHUNK)], idx_r.at[c])
        pltpu.sync_copy(t_hbm.at[pl.ds(off, CHUNK)], idx_t.at[c])

    iota16 = lax.iota(jnp.int32, 16)

    for c in range(N_CHUNKS):
        cp_h = pltpu.async_copy(ent_hbm.at[idx_h.at[c]], rows_h, sem)
        cp_r = pltpu.async_copy(rel_hbm.at[idx_r.at[c]], rows_r, sem)
        cp_t = pltpu.async_copy(ent_hbm.at[idx_t.at[c]], rows_t, sem)
        cp_h.wait()
        cp_r.wait()
        cp_t.wait()


        def group_body(g, _, c=c):
            row16 = iota16 + g * 16

            def col_body(j, accs):
                hh, tt, rr, hr, ht, rt = accs
                col = lax.broadcast(j, (16,))
                hv = plsc.load_gather(rows_h, [row16, col])
                rv = plsc.load_gather(rows_r, [row16, col])
                tv = plsc.load_gather(rows_t, [row16, col])
                hh = hh + hv * hv
                tt = tt + tv * tv
                rr = rr + rv * rv
                hr = hr + hv * rv
                ht = ht + hv * tv
                rt = rt + rv * tv
                return (hh, tt, rr, hr, ht, rt)

            zero = jnp.zeros((16,), jnp.float32)
            hh, tt, rr, hr, ht, rt = lax.fori_loop(
                0, DIM, col_body, (zero, zero, zero, zero, zero, zero))

            inh = _rsqrt16(hh)
            int_ = _rsqrt16(tt)
            s2 = (hh * inh * inh + tt * int_ * int_ + rr
                  + jnp.float32(2.0) * (hr * inh - ht * inh * int_ - rt * int_))
            s2 = jnp.maximum(s2, jnp.float32(0.0))
            out16 = -(s2 * _rsqrt16(s2))
            out_v[pl.ds(c * CHUNK + g * 16, 16)] = out16
            return 0

        lax.fori_loop(0, GROUPS, group_body, 0)

    pltpu.sync_copy(out_v, out_hbm.at[pl.ds(base, B_PER_W)])


@functools.partial(jax.jit, static_argnames=())
def kernel(h, r, t, ent_emb, rel_emb):
    mesh = plsc.VectorSubcoreMesh(
        core_axis_name="c", subcore_axis_name="s",
        num_cores=N_CORES, num_subcores=N_SUBCORES)
    run = pl.kernel(
        _sc_body,
        out_type=jax.ShapeDtypeStruct((BATCH,), jnp.float32),
        mesh=mesh,
        compiler_params=pltpu.CompilerParams(needs_layout_passes=False, use_tc_tiling_on_sc=False),
        scratch_types=[
            pltpu.VMEM((N_CHUNKS, CHUNK), jnp.int32),
            pltpu.VMEM((N_CHUNKS, CHUNK), jnp.int32),
            pltpu.VMEM((N_CHUNKS, CHUNK), jnp.int32),
            pltpu.VMEM((CHUNK, DIM), jnp.float32),
            pltpu.VMEM((CHUNK, DIM), jnp.float32),
            pltpu.VMEM((CHUNK, DIM), jnp.float32),
            pltpu.VMEM((B_PER_W,), jnp.float32),
            pltpu.SemaphoreType.DMA,
        ],
    )
    return run(h, r, t, ent_emb, rel_emb)

# --- scband reference (transcript-rebuilt; emitter-appended) ---
"""Pipeline reference for scband-trans-e-41369124995149 (READ-ONLY COPY).

The authoritative reference and input builder live on the scoring server;
editing this copy changes nothing except your own understanding.
"""

import jax, jax.numpy as jnp
import numpy as np
import math

N_ENT = 1000000
N_REL = 1000
DIM = 64
BATCH = 16384


def _l2_normalize(x, axis=1, eps=1e-12):
    n = jnp.linalg.norm(x, ord=2, axis=axis, keepdims=True)
    return x / jnp.maximum(n, eps)


def setup_inputs(seed: int = 0) -> dict:
    key = jax.random.key(seed)
    k_h, k_r, k_t, k_ent, k_rel = jax.random.split(key, 5)
    h = jax.random.randint(k_h, (BATCH,), 0, N_ENT, dtype=jnp.int64 if jax.config.read('jax_enable_x64') else jnp.int32).astype(jnp.int32)
    r = jax.random.randint(k_r, (BATCH,), 0, N_REL).astype(jnp.int32)
    t = jax.random.randint(k_t, (BATCH,), 0, N_ENT).astype(jnp.int32)
    bound = 6.0 / math.sqrt(DIM)
    ent_emb = jax.random.uniform(k_ent, (N_ENT, DIM), minval=-bound, maxval=bound, dtype=jnp.float32)
    rel_emb = jax.random.uniform(k_rel, (N_REL, DIM), minval=-bound, maxval=bound, dtype=jnp.float32)
    rel_emb = _l2_normalize(rel_emb, axis=1)
    return {"h": h, "r": r, "t": t, "ent_emb": ent_emb, "rel_emb": rel_emb}


def reference(h, r, t, ent_emb, rel_emb):
    h_e = _l2_normalize(jnp.take(ent_emb, h, axis=0), axis=1)
    r_e = jnp.take(rel_emb, r, axis=0)
    t_e = _l2_normalize(jnp.take(ent_emb, t, axis=0), axis=1)
    return -jnp.linalg.norm(h_e + r_e - t_e, ord=2, axis=1)

if __name__ == "__main__":
    import jax
    _d = setup_inputs()
    print(jax.jit(kernel)(*tuple(_d.values())))

</pallas_src>

<mosaic_0001>
#map = affine_map<(d0, d1) -> (0)>
#map1 = affine_map<(d0, d1) -> (0, 0)>
module attributes {stable_mosaic.version = 14 : i64} {
  func.func @_sc_body(%arg0: i32, %arg1: i32, %arg2: memref<16384xi32, #tpu.memory_space<hbm>>, %arg3: memref<16384xi32, #tpu.memory_space<hbm>>, %arg4: memref<16384xi32, #tpu.memory_space<hbm>>, %arg5: memref<1000000x64xf32, #tpu.memory_space<hbm>>, %arg6: memref<1000x64xf32, #tpu.memory_space<hbm>>, %arg7: memref<16384xf32, #tpu.memory_space<hbm>>, %arg8: memref<4x128xi32, #tpu.memory_space<vmem>>, %arg9: memref<4x128xi32, #tpu.memory_space<vmem>>, %arg10: memref<4x128xi32, #tpu.memory_space<vmem>>, %arg11: memref<128x64xf32, #tpu.memory_space<vmem>>, %arg12: memref<128x64xf32, #tpu.memory_space<vmem>>, %arg13: memref<128x64xf32, #tpu.memory_space<vmem>>, %arg14: memref<512xf32, #tpu.memory_space<vmem>>, %arg15: memref<!tpu.dma_semaphore, #tpu.memory_space<semaphore_mem>>) attributes {dimension_semantics = [#tpu.dimension_semantics<core_parallel>, #tpu.dimension_semantics<subcore_parallel>], iteration_bounds = array<i64: 2, 16>, scalar_prefetch = 0 : i64, scratch_operands = 8 : i64, tpu.core_type = #tpu.core_type<sc_vector_subcore>, window_params = [{transform_indices = #map}, {transform_indices = #map}, {transform_indices = #map}, {transform_indices = #map1}, {transform_indices = #map1}, {transform_indices = #map}]} {
    %mul3A = arith.constant 2 : i32
    %mul3A_0 = arith.muli %arg1, %mul3A : i32
    %add3A = arith.addi %mul3A_0, %arg0 : i32
    %mul3A_1 = arith.constant 512 : i32
    %mul3A_2 = arith.muli %add3A, %mul3A_1 : i32
    %add3A_3 = arith.constant 0 : i32
    %add3A_4 = arith.addi %mul3A_2, %add3A_3 : i32
    %run_scoped3A = arith.constant 0 : i32
    "tpu.region"() ({
      %run_scoped3A_215 = tpu.sem_alloc : memref<!tpu.dma_semaphore, #tpu.memory_space<semaphore_mem>>
      %dma_start3A_216 = arith.constant 0 : i32
      %dma_start3A_217 = tpu.memref_slice %arg8[%run_scoped3A, %dma_start3A_216] : memref<4x128xi32, #tpu.memory_space<vmem>> -> memref<1x128xi32, #tpu.memory_space<vmem>>
      %dma_start3A_218 = tpu.memref_squeeze %dma_start3A_217 : memref<1x128xi32, #tpu.memory_space<vmem>> -> memref<128xi32, #tpu.memory_space<vmem>>
      %dma_start3A_219 = tpu.memref_slice %arg2[%add3A_4] : memref<16384xi32, #tpu.memory_space<hbm>> -> memref<128xi32, #tpu.memory_space<hbm>>
      %dma_start3A_220 = arith.constant 0 : i32
      %dma_start3A_221 = tpu.memref_slice %arg8[%run_scoped3A, %dma_start3A_220] : memref<4x128xi32, #tpu.memory_space<vmem>> -> memref<1x128xi32, #tpu.memory_space<vmem>>
      %dma_start3A_222 = tpu.memref_squeeze %dma_start3A_221 : memref<1x128xi32, #tpu.memory_space<vmem>> -> memref<128xi32, #tpu.memory_space<vmem>>
      %dma_start3A_223 = tpu.memref_slice %arg2[%add3A_4] : memref<16384xi32, #tpu.memory_space<hbm>> -> memref<128xi32, #tpu.memory_space<hbm>>
      tpu.enqueue_dma source(%dma_start3A_223 : memref<128xi32, #tpu.memory_space<hbm>>) target(%dma_start3A_222 : memref<128xi32, #tpu.memory_space<vmem>>) target_semaphore(%run_scoped3A_215 : memref<!tpu.dma_semaphore, #tpu.memory_space<semaphore_mem>>)
      %dma_wait3A_224 = arith.constant 0 : i32
      %dma_wait3A_225 = tpu.memref_slice %arg8[%run_scoped3A, %dma_wait3A_224] : memref<4x128xi32, #tpu.memory_space<vmem>> -> memref<1x128xi32, #tpu.memory_space<vmem>>
      %dma_wait3A_226 = tpu.memref_squeeze %dma_wait3A_225 : memref<1x128xi32, #tpu.memory_space<vmem>> -> memref<128xi32, #tpu.memory_space<vmem>>
      %dma_wait3A_227 = tpu.memref_slice %arg2[%add3A_4] : memref<16384xi32, #tpu.memory_space<hbm>> -> memref<128xi32, #tpu.memory_space<hbm>>
      %dma_wait3A_228 = arith.constant 0 : i32
      %dma_wait3A_229 = tpu.memref_slice %arg8[%run_scoped3A, %dma_wait3A_228] : memref<4x128xi32, #tpu.memory_space<vmem>> -> memref<1x128xi32, #tpu.memory_space<vmem>>
      %dma_wait3A_230 = tpu.memref_squeeze %dma_wait3A_229 : memref<1x128xi32, #tpu.memory_space<vmem>> -> memref<128xi32, #tpu.memory_space<vmem>>
      %dma_wait3A_231 = tpu.memref_slice %arg2[%add3A_4] : memref<16384xi32, #tpu.memory_space<hbm>> -> memref<128xi32, #tpu.memory_space<hbm>>
      tpu.wait_dma2 semaphore(%run_scoped3A_215 : memref<!tpu.dma_semaphore, #tpu.memory_space<semaphore_mem>>) src(%dma_wait3A_231 : memref<128xi32, #tpu.memory_space<hbm>>) dst(%dma_wait3A_230 : memref<128xi32, #tpu.memory_space<vmem>>)
      tpu.yield
    }) : () -> ()
    %run_scoped3A_5 = arith.constant 0 : i32
    "tpu.region"() ({
      %run_scoped3A_215 = tpu.sem_alloc : memref<!tpu.dma_semaphore, #tpu.memory_space<semaphore_mem>>
      %dma_start3A_216 = arith.constant 0 : i32
      %dma_start3A_217 = tpu.memref_slice %arg9[%run_scoped3A_5, %dma_start3A_216] : memref<4x128xi32, #tpu.memory_space<vmem>> -> memref<1x128xi32, #tpu.memory_space<vmem>>
      %dma_start3A_218 = tpu.memref_squeeze %dma_start3A_217 : memref<1x128xi32, #tpu.memory_space<vmem>> -> memref<128xi32, #tpu.memory_space<vmem>>
      %dma_start3A_219 = tpu.memref_slice %arg3[%add3A_4] : memref<16384xi32, #tpu.memory_space<hbm>> -> memref<128xi32, #tpu.memory_space<hbm>>
      %dma_start3A_220 = arith.constant 0 : i32
      %dma_start3A_221 = tpu.memref_slice %arg9[%run_scoped3A_5, %dma_start3A_220] : memref<4x128xi32, #tpu.memory_space<vmem>> -> memref<1x128xi32, #tpu.memory_space<vmem>>
      %dma_start3A_222 = tpu.memref_squeeze %dma_start3A_221 : memref<1x128xi32, #tpu.memory_space<vmem>> -> memref<128xi32, #tpu.memory_space<vmem>>
      %dma_start3A_223 = tpu.memref_slice %arg3[%add3A_4] : memref<16384xi32, #tpu.memory_space<hbm>> -> memref<128xi32, #tpu.memory_space<hbm>>
      tpu.enqueue_dma source(%dma_start3A_223 : memref<128xi32, #tpu.memory_space<hbm>>) target(%dma_start3A_222 : memref<128xi32, #tpu.memory_space<vmem>>) target_semaphore(%run_scoped3A_215 : memref<!tpu.dma_semaphore, #tpu.memory_space<semaphore_mem>>)
      %dma_wait3A_224 = arith.constant 0 : i32
      %dma_wait3A_225 = tpu.memref_slice %arg9[%run_scoped3A_5, %dma_wait3A_224] : memref<4x128xi32, #tpu.memory_space<vmem>> -> memref<1x128xi32, #tpu.memory_space<vmem>>
      %dma_wait3A_226 = tpu.memref_squeeze %dma_wait3A_225 : memref<1x128xi32, #tpu.memory_space<vmem>> -> memref<128xi32, #tpu.memory_space<vmem>>
      %dma_wait3A_227 = tpu.memref_slice %arg3[%add3A_4] : memref<16384xi32, #tpu.memory_space<hbm>> -> memref<128xi32, #tpu.memory_space<hbm>>
      %dma_wait3A_228 = arith.constant 0 : i32
      %dma_wait3A_229 = tpu.memref_slice %arg9[%run_scoped3A_5, %dma_wait3A_228] : memref<4x128xi32, #tpu.memory_space<vmem>> -> memref<1x128xi32, #tpu.memory_space<vmem>>
      %dma_wait3A_230 = tpu.memref_squeeze %dma_wait3A_229 : memref<1x128xi32, #tpu.memory_space<vmem>> -> memref<128xi32, #tpu.memory_space<vmem>>
      %dma_wait3A_231 = tpu.memref_slice %arg3[%add3A_4] : memref<16384xi32, #tpu.memory_space<hbm>> -> memref<128xi32, #tpu.memory_space<hbm>>
      tpu.wait_dma2 semaphore(%run_scoped3A_215 : memref<!tpu.dma_semaphore, #tpu.memory_space<semaphore_mem>>) src(%dma_wait3A_231 : memref<128xi32, #tpu.memory_space<hbm>>) dst(%dma_wait3A_230 : memref<128xi32, #tpu.memory_space<vmem>>)
      tpu.yield
    }) : () -> ()
    %run_scoped3A_6 = arith.constant 0 : i32
    "tpu.region"() ({
      %run_scoped3A_215 = tpu.sem_alloc : memref<!tpu.dma_semaphore, #tpu.memory_space<semaphore_mem>>
      %dma_start3A_216 = arith.constant 0 : i32
      %dma_start3A_217 = tpu.memref_slice %arg10[%run_scoped3A_6, %dma_start3A_216] : memref<4x128xi32, #tpu.memory_space<vmem>> -> memref<1x128xi32, #tpu.memory_space<vmem>>
      %dma_start3A_218 = tpu.memref_squeeze %dma_start3A_217 : memref<1x128xi32, #tpu.memory_space<vmem>> -> memref<128xi32, #tpu.memory_space<vmem>>
      %dma_start3A_219 = tpu.memref_slice %arg4[%add3A_4] : memref<16384xi32, #tpu.memory_space<hbm>> -> memref<128xi32, #tpu.memory_space<hbm>>
      %dma_start3A_220 = arith.constant 0 : i32
      %dma_start3A_221 = tpu.memref_slice %arg10[%run_scoped3A_6, %dma_start3A_220] : memref<4x128xi32, #tpu.memory_space<vmem>> -> memref<1x128xi32, #tpu.memory_space<vmem>>
      %dma_start3A_222 = tpu.memref_squeeze %dma_start3A_221 : memref<1x128xi32, #tpu.memory_space<vmem>> -> memref<128xi32, #tpu.memory_space<vmem>>
      %dma_start3A_223 = tpu.memref_slice %arg4[%add3A_4] : memref<16384xi32, #tpu.memory_space<hbm>> -> memref<128xi32, #tpu.memory_space<hbm>>
      tpu.enqueue_dma source(%dma_start3A_223 : memref<128xi32, #tpu.memory_space<hbm>>) target(%dma_start3A_222 : memref<128xi32, #tpu.memory_space<vmem>>) target_semaphore(%run_scoped3A_215 : memref<!tpu.dma_semaphore, #tpu.memory_space<semaphore_mem>>)
      %dma_wait3A_224 = arith.constant 0 : i32
      %dma_wait3A_225 = tpu.memref_slice %arg10[%run_scoped3A_6, %dma_wait3A_224] : memref<4x128xi32, #tpu.memory_space<vmem>> -> memref<1x128xi32, #tpu.memory_space<vmem>>
      %dma_wait3A_226 = tpu.memref_squeeze %dma_wait3A_225 : memref<1x128xi32, #tpu.memory_space<vmem>> -> memref<128xi32, #tpu.memory_space<vmem>>
      %dma_wait3A_227 = tpu.memref_slice %arg4[%add3A_4] : memref<16384xi32, #tpu.memory_space<hbm>> -> memref<128xi32, #tpu.memory_space<hbm>>
      %dma_wait3A_228 = arith.constant 0 : i32
      %dma_wait3A_229 = tpu.memref_slice %arg10[%run_scoped3A_6, %dma_wait3A_228] : memref<4x128xi32, #tpu.memory_space<vmem>> -> memref<1x128xi32, #tpu.memory_space<vmem>>
      %dma_wait3A_230 = tpu.memref_squeeze %dma_wait3A_229 : memref<1x128xi32, #tpu.memory_space<vmem>> -> memref<128xi32, #tpu.memory_space<vmem>>
      %dma_wait3A_231 = tpu.memref_slice %arg4[%add3A_4] : memref<16384xi32, #tpu.memory_space<hbm>> -> memref<128xi32, #tpu.memory_space<hbm>>
      tpu.wait_dma2 semaphore(%run_scoped3A_215 : memref<!tpu.dma_semaphore, #tpu.memory_space<semaphore_mem>>) src(%dma_wait3A_231 : memref<128xi32, #tpu.memory_space<hbm>>) dst(%dma_wait3A_230 : memref<128xi32, #tpu.memory_space<vmem>>)
      tpu.yield
    }) : () -> ()
    %add3A_7 = arith.constant 128 : i32
    %add3A_8 = arith.addi %mul3A_2, %add3A_7 : i32
    %run_scoped3A_9 = arith.constant 1 : i32
    "tpu.region"() ({
      %run_scoped3A_215 = tpu.sem_alloc : memref<!tpu.dma_semaphore, #tpu.memory_space<semaphore_mem>>
      %dma_start3A_216 = arith.constant 0 : i32
      %dma_start3A_217 = tpu.memref_slice %arg8[%run_scoped3A_9, %dma_start3A_216] : memref<4x128xi32, #tpu.memory_space<vmem>> -> memref<1x128xi32, #tpu.memory_space<vmem>>
      %dma_start3A_218 = tpu.memref_squeeze %dma_start3A_217 : memref<1x128xi32, #tpu.memory_space<vmem>> -> memref<128xi32, #tpu.memory_space<vmem>>
      %dma_start3A_219 = tpu.memref_slice %arg2[%add3A_8] : memref<16384xi32, #tpu.memory_space<hbm>> -> memref<128xi32, #tpu.memory_space<hbm>>
      %dma_start3A_220 = arith.constant 0 : i32
      %dma_start3A_221 = tpu.memref_slice %arg8[%run_scoped3A_9, %dma_start3A_220] : memref<4x128xi32, #tpu.memory_space<vmem>> -> memref<1x128xi32, #tpu.memory_space<vmem>>
      %dma_start3A_222 = tpu.memref_squeeze %dma_start3A_221 : memref<1x128xi32, #tpu.memory_space<vmem>> -> memref<128xi32, #tpu.memory_space<vmem>>
      %dma_start3A_223 = tpu.memref_slice %arg2[%add3A_8] : memref<16384xi32, #tpu.memory_space<hbm>> -> memref<128xi32, #tpu.memory_space<hbm>>
      tpu.enqueue_dma source(%dma_start3A_223 : memref<128xi32, #tpu.memory_space<hbm>>) target(%dma_start3A_222 : memref<128xi32, #tpu.memory_space<vmem>>) target_semaphore(%run_scoped3A_215 : memref<!tpu.dma_semaphore, #tpu.memory_space<semaphore_mem>>)
      %dma_wait3A_224 = arith.constant 0 : i32
      %dma_wait3A_225 = tpu.memref_slice %arg8[%run_scoped3A_9, %dma_wait3A_224] : memref<4x128xi32, #tpu.memory_space<vmem>> -> memref<1x128xi32, #tpu.memory_space<vmem>>
      %dma_wait3A_226 = tpu.memref_squeeze %dma_wait3A_225 : memref<1x128xi32, #tpu.memory_space<vmem>> -> memref<128xi32, #tpu.memory_space<vmem>>
      %dma_wait3A_227 = tpu.memref_slice %arg2[%add3A_8] : memref<16384xi32, #tpu.memory_space<hbm>> -> memref<128xi32, #tpu.memory_space<hbm>>
      %dma_wait3A_228 = arith.constant 0 : i32
      %dma_wait3A_229 = tpu.memref_slice %arg8[%run_scoped3A_9, %dma_wait3A_228] : memref<4x128xi32, #tpu.memory_space<vmem>> -> memref<1x128xi32, #tpu.memory_space<vmem>>
      %dma_wait3A_230 = tpu.memref_squeeze %dma_wait3A_229 : memref<1x128xi32, #tpu.memory_space<vmem>> -> memref<128xi32, #tpu.memory_space<vmem>>
      %dma_wait3A_231 = tpu.memref_slice %arg2[%add3A_8] : memref<16384xi32, #tpu.memory_space<hbm>> -> memref<128xi32, #tpu.memory_space<hbm>>
      tpu.wait_dma2 semaphore(%run_scoped3A_215 : memref<!tpu.dma_semaphore, #tpu.memory_space<semaphore_mem>>) src(%dma_wait3A_231 : memref<128xi32, #tpu.memory_space<hbm>>) dst(%dma_wait3A_230 : memref<128xi32, #tpu.memory_space<vmem>>)
      tpu.yield
    }) : () -> ()
    %run_scoped3A_10 = arith.constant 1 : i32
    "tpu.region"() ({
      %run_scoped3A_215 = tpu.sem_alloc : memref<!tpu.dma_semaphore, #tpu.memory_space<semaphore_mem>>
      %dma_start3A_216 = arith.constant 0 : i32
      %dma_start3A_217 = tpu.memref_slice %arg9[%run_scoped3A_10, %dma_start3A_216] : memref<4x128xi32, #tpu.memory_space<vmem>> -> memref<1x128xi32, #tpu.memory_space<vmem>>
      %dma_start3A_218 = tpu.memref_squeeze %dma_start3A_217 : memref<1x128xi32, #tpu.memory_space<vmem>> -> memref<128xi32, #tpu.memory_space<vmem>>
      %dma_start3A_219 = tpu.memref_slice %arg3[%add3A_8] : memref<16384xi32, #tpu.memory_space<hbm>> -> memref<128xi32, #tpu.memory_space<hbm>>
      %dma_start3A_220 = arith.constant 0 : i32
      %dma_start3A_221 = tpu.memref_slice %arg9[%run_scoped3A_10, %dma_start3A_220] : memref<4x128xi32, #tpu.memory_space<vmem>> -> memref<1x128xi32, #tpu.memory_space<vmem>>
      %dma_start3A_222 = tpu.memref_squeeze %dma_start3A_221 : memref<1x128xi32, #tpu.memory_space<vmem>> -> memref<128xi32, #tpu.memory_space<vmem>>
      %dma_start3A_223 = tpu.memref_slice %arg3[%add3A_8] : memref<16384xi32, #tpu.memory_space<hbm>> -> memref<128xi32, #tpu.memory_space<hbm>>
      tpu.enqueue_dma source(%dma_start3A_223 : memref<128xi32, #tpu.memory_space<hbm>>) target(%dma_start3A_222 : memref<128xi32, #tpu.memory_space<vmem>>) target_semaphore(%run_scoped3A_215 : memref<!tpu.dma_semaphore, #tpu.memory_space<semaphore_mem>>)
      %dma_wait3A_224 = arith.constant 0 : i32
      %dma_wait3A_225 = tpu.memref_slice %arg9[%run_scoped3A_10, %dma_wait3A_224] : memref<4x128xi32, #tpu.memory_space<vmem>> -> memref<1x128xi32, #tpu.memory_space<vmem>>
      %dma_wait3A_226 = tpu.memref_squeeze %dma_wait3A_225 : memref<1x128xi32, #tpu.memory_space<vmem>> -> memref<128xi32, #tpu.memory_space<vmem>>
      %dma_wait3A_227 = tpu.memref_slice %arg3[%add3A_8] : memref<16384xi32, #tpu.memory_space<hbm>> -> memref<128xi32, #tpu.memory_space<hbm>>
      %dma_wait3A_228 = arith.constant 0 : i32
      %dma_wait3A_229 = tpu.memref_slice %arg9[%run_scoped3A_10, %dma_wait3A_228] : memref<4x128xi32, #tpu.memory_space<vmem>> -> memref<1x128xi32, #tpu.memory_space<vmem>>
      %dma_wait3A_230 = tpu.memref_squeeze %dma_wait3A_229 : memref<1x128xi32, #tpu.memory_space<vmem>> -> memref<128xi32, #tpu.memory_space<vmem>>
      %dma_wait3A_231 = tpu.memref_slice %arg3[%add3A_8] : memref<16384xi32, #tpu.memory_space<hbm>> -> memref<128xi32, #tpu.memory_space<hbm>>
      tpu.wait_dma2 semaphore(%run_scoped3A_215 : memref<!tpu.dma_semaphore, #tpu.memory_space<semaphore_mem>>) src(%dma_wait3A_231 : memref<128xi32, #tpu.memory_space<hbm>>) dst(%dma_wait3A_230 : memref<128xi32, #tpu.memory_space<vmem>>)
      tpu.yield
    }) : () -> ()
    %run_scoped3A_11 = arith.constant 1 : i32
    "tpu.region"() ({
      %run_scoped3A_215 = tpu.sem_alloc : memref<!tpu.dma_semaphore, #tpu.memory_space<semaphore_mem>>
      %dma_start3A_216 = arith.constant 0 : i32
      %dma_start3A_217 = tpu.memref_slice %arg10[%run_scoped3A_11, %dma_start3A_216] : memref<4x128xi32, #tpu.memory_space<vmem>> -> memref<1x128xi32, #tpu.memory_space<vmem>>
      %dma_start3A_218 = tpu.memref_squeeze %dma_start3A_217 : memref<1x128xi32, #tpu.memory_space<vmem>> -> memref<128xi32, #tpu.memory_space<vmem>>
      %dma_start3A_219 = tpu.memref_slice %arg4[%add3A_8] : memref<16384xi32, #tpu.memory_space<hbm>> -> memref<128xi32, #tpu.memory_space<hbm>>
      %dma_start3A_220 = arith.constant 0 : i32
      %dma_start3A_221 = tpu.memref_slice %arg10[%run_scoped3A_11, %dma_start3A_220] : memref<4x128xi32, #tpu.memory_space<vmem>> -> memref<1x128xi32, #tpu.memory_space<vmem>>
      %dma_start3A_222 = tpu.memref_squeeze %dma_start3A_221 : memref<1x128xi32, #tpu.memory_space<vmem>> -> memref<128xi32, #tpu.memory_space<vmem>>
      %dma_start3A_223 = tpu.memref_slice %arg4[%add3A_8] : memref<16384xi32, #tpu.memory_space<hbm>> -> memref<128xi32, #tpu.memory_space<hbm>>
      tpu.enqueue_dma source(%dma_start3A_223 : memref<128xi32, #tpu.memory_space<hbm>>) target(%dma_start3A_222 : memref<128xi32, #tpu.memory_space<vmem>>) target_semaphore(%run_scoped3A_215 : memref<!tpu.dma_semaphore, #tpu.memory_space<semaphore_mem>>)
      %dma_wait3A_224 = arith.constant 0 : i32
      %dma_wait3A_225 = tpu.memref_slice %arg10[%run_scoped3A_11, %dma_wait3A_224] : memref<4x128xi32, #tpu.memory_space<vmem>> -> memref<1x128xi32, #tpu.memory_space<vmem>>
      %dma_wait3A_226 = tpu.memref_squeeze %dma_wait3A_225 : memref<1x128xi32, #tpu.memory_space<vmem>> -> memref<128xi32, #tpu.memory_space<vmem>>
      %dma_wait3A_227 = tpu.memref_slice %arg4[%add3A_8] : memref<16384xi32, #tpu.memory_space<hbm>> -> memref<128xi32, #tpu.memory_space<hbm>>
      %dma_wait3A_228 = arith.constant 0 : i32
      %dma_wait3A_229 = tpu.memref_slice %arg10[%run_scoped3A_11, %dma_wait3A_228] : memref<4x128xi32, #tpu.memory_space<vmem>> -> memref<1x128xi32, #tpu.memory_space<vmem>>
      %dma_wait3A_230 = tpu.memref_squeeze %dma_wait3A_229 : memref<1x128xi32, #tpu.memory_space<vmem>> -> memref<128xi32, #tpu.memory_space<vmem>>
      %dma_wait3A_231 = tpu.memref_slice %arg4[%add3A_8] : memref<16384xi32, #tpu.memory_space<hbm>> -> memref<128xi32, #tpu.memory_space<hbm>>
      tpu.wait_dma2 semaphore(%run_scoped3A_215 : memref<!tpu.dma_semaphore, #tpu.memory_space<semaphore_mem>>) src(%dma_wait3A_231 : memref<128xi32, #tpu.memory_space<hbm>>) dst(%dma_wait3A_230 : memref<128xi32, #tpu.memory_space<vmem>>)
      tpu.yield
    }) : () -> ()
    %add3A_12 = arith.constant 256 : i32
    %add3A_13 = arith.addi %mul3A_2, %add3A_12 : i32
    %run_scoped3A_14 = arith.constant 2 : i32
    "tpu.region"() ({
      %run_scoped3A_215 = tpu.sem_alloc : memref<!tpu.dma_semaphore, #tpu.memory_space<semaphore_mem>>
      %dma_start3A_216 = arith.constant 0 : i32
      %dma_start3A_217 = tpu.memref_slice %arg8[%run_scoped3A_14, %dma_start3A_216] : memref<4x128xi32, #tpu.memory_space<vmem>> -> memref<1x128xi32, #tpu.memory_space<vmem>>
      %dma_start3A_218 = tpu.memref_squeeze %dma_start3A_217 : memref<1x128xi32, #tpu.memory_space<vmem>> -> memref<128xi32, #tpu.memory_space<vmem>>
      %dma_start3A_219 = tpu.memref_slice %arg2[%add3A_13] : memref<16384xi32, #tpu.memory_space<hbm>> -> memref<128xi32, #tpu.memory_space<hbm>>
      %dma_start3A_220 = arith.constant 0 : i32
      %dma_start3A_221 = tpu.memref_slice %arg8[%run_scoped3A_14, %dma_start3A_220] : memref<4x128xi32, #tpu.memory_space<vmem>> -> memref<1x128xi32, #tpu.memory_space<vmem>>
      %dma_start3A_222 = tpu.memref_squeeze %dma_start3A_221 : memref<1x128xi32, #tpu.memory_space<vmem>> -> memref<128xi32, #tpu.memory_space<vmem>>
      %dma_start3A_223 = tpu.memref_slice %arg2[%add3A_13] : memref<16384xi32, #tpu.memory_space<hbm>> -> memref<128xi32, #tpu.memory_space<hbm>>
      tpu.enqueue_dma source(%dma_start3A_223 : memref<128xi32, #tpu.memory_space<hbm>>) target(%dma_start3A_222 : memref<128xi32, #tpu.memory_space<vmem>>) target_semaphore(%run_scoped3A_215 : memref<!tpu.dma_semaphore, #tpu.memory_space<semaphore_mem>>)
      %dma_wait3A_224 = arith.constant 0 : i32
      %dma_wait3A_225 = tpu.memref_slice %arg8[%run_scoped3A_14, %dma_wait3A_224] : memref<4x128xi32, #tpu.memory_space<vmem>> -> memref<1x128xi32, #tpu.memory_space<vmem>>
      %dma_wait3A_226 = tpu.memref_squeeze %dma_wait3A_225 : memref<1x128xi32, #tpu.memory_space<vmem>> -> memref<128xi32, #tpu.memory_space<vmem>>
      %dma_wait3A_227 = tpu.memref_slice %arg2[%add3A_13] : memref<16384xi32, #tpu.memory_space<hbm>> -> memref<128xi32, #tpu.memory_space<hbm>>
      %dma_wait3A_228 = arith.constant 0 : i32
      %dma_wait3A_229 = tpu.memref_slice %arg8[%run_scoped3A_14, %dma_wait3A_228] : memref<4x128xi32, #tpu.memory_space<vmem>> -> memref<1x128xi32, #tpu.memory_space<vmem>>
      %dma_wait3A_230 = tpu.memref_squeeze %dma_wait3A_229 : memref<1x128xi32, #tpu.memory_space<vmem>> -> memref<128xi32, #tpu.memory_space<vmem>>
      %dma_wait3A_231 = tpu.memref_slice %arg2[%add3A_13] : memref<16384xi32, #tpu.memory_space<hbm>> -> memref<128xi32, #tpu.memory_space<hbm>>
      tpu.wait_dma2 semaphore(%run_scoped3A_215 : memref<!tpu.dma_semaphore, #tpu.memory_space<semaphore_mem>>) src(%dma_wait3A_231 : memref<128xi32, #tpu.memory_space<hbm>>) dst(%dma_wait3A_230 : memref<128xi32, #tpu.memory_space<vmem>>)
      tpu.yield
    }) : () -> ()
    %run_scoped3A_15 = arith.constant 2 : i32
    "tpu.region"() ({
      %run_scoped3A_215 = tpu.sem_alloc : memref<!tpu.dma_semaphore, #tpu.memory_space<semaphore_mem>>
      %dma_start3A_216 = arith.constant 0 : i32
      %dma_start3A_217 = tpu.memref_slice %arg9[%run_scoped3A_15, %dma_start3A_216] : memref<4x128xi32, #tpu.memory_space<vmem>> -> memref<1x128xi32, #tpu.memory_space<vmem>>
      %dma_start3A_218 = tpu.memref_squeeze %dma_start3A_217 : memref<1x128xi32, #tpu.memory_space<vmem>> -> memref<128xi32, #tpu.memory_space<vmem>>
      %dma_start3A_219 = tpu.memref_slice %arg3[%add3A_13] : memref<16384xi32, #tpu.memory_space<hbm>> -> memref<128xi32, #tpu.memory_space<hbm>>
      %dma_start3A_220 = arith.constant 0 : i32
      %dma_start3A_221 = tpu.memref_slice %arg9[%run_scoped3A_15, %dma_start3A_220] : memref<4x128xi32, #tpu.memory_space<vmem>> -> memref<1x128xi32, #tpu.memory_space<vmem>>
      %dma_start3A_222 = tpu.memref_squeeze %dma_start3A_221 : memref<1x128xi32, #tpu.memory_space<vmem>> -> memref<128xi32, #tpu.memory_space<vmem>>
      %dma_start3A_223 = tpu.memref_slice %arg3[%add3A_13] : memref<16384xi32, #tpu.memory_space<hbm>> -> memref<128xi32, #tpu.memory_space<hbm>>
      tpu.enqueue_dma source(%dma_start3A_223 : memref<128xi32, #tpu.memory_space<hbm>>) target(%dma_start3A_222 : memref<128xi32, #tpu.memory_space<vmem>>) target_semaphore(%run_scoped3A_215 : memref<!tpu.dma_semaphore, #tpu.memory_space<semaphore_mem>>)
      %dma_wait3A_224 = arith.constant 0 : i32
      %dma_wait3A_225 = tpu.memref_slice %arg9[%run_scoped3A_15, %dma_wait3A_224] : memref<4x128xi32, #tpu.memory_space<vmem>> -> memref<1x128xi32, #tpu.memory_space<vmem>>
      %dma_wait3A_226 = tpu.memref_squeeze %dma_wait3A_225 : memref<1x128xi32, #tpu.memory_space<vmem>> -> memref<128xi32, #tpu.memory_space<vmem>>
      %dma_wait3A_227 = tpu.memref_slice %arg3[%add3A_13] : memref<16384xi32, #tpu.memory_space<hbm>> -> memref<128xi32, #tpu.memory_space<hbm>>
      %dma_wait3A_228 = arith.constant 0 : i32
      %dma_wait3A_229 = tpu.memref_slice %arg9[%run_scoped3A_15, %dma_wait3A_228] : memref<4x128xi32, #tpu.memory_space<vmem>> -> memref<1x128xi32, #tpu.memory_space<vmem>>
      %dma_wait3A_230 = tpu.memref_squeeze %dma_wait3A_229 : memref<1x128xi32, #tpu.memory_space<vmem>> -> memref<128xi32, #tpu.memory_space<vmem>>
      %dma_wait3A_231 = tpu.memref_slice %arg3[%add3A_13] : memref<16384xi32, #tpu.memory_space<hbm>> -> memref<128xi32, #tpu.memory_space<hbm>>
      tpu.wait_dma2 semaphore(%run_scoped3A_215 : memref<!tpu.dma_semaphore, #tpu.memory_space<semaphore_mem>>) src(%dma_wait3A_231 : memref<128xi32, #tpu.memory_space<hbm>>) dst(%dma_wait3A_230 : memref<128xi32, #tpu.memory_space<vmem>>)
      tpu.yield
    }) : () -> ()
    %run_scoped3A_16 = arith.constant 2 : i32
    "tpu.region"() ({
      %run_scoped3A_215 = tpu.sem_alloc : memref<!tpu.dma_semaphore, #tpu.memory_space<semaphore_mem>>
      %dma_start3A_216 = arith.constant 0 : i32
      %dma_start3A_217 = tpu.memref_slice %arg10[%run_scoped3A_16, %dma_start3A_216] : memref<4x128xi32, #tpu.memory_space<vmem>> -> memref<1x128xi32, #tpu.memory_space<vmem>>
      %dma_start3A_218 = tpu.memref_squeeze %dma_start3A_217 : memref<1x128xi32, #tpu.memory_space<vmem>> -> memref<128xi32, #tpu.memory_space<vmem>>
      %dma_start3A_219 = tpu.memref_slice %arg4[%add3A_13] : memref<16384xi32, #tpu.memory_space<hbm>> -> memref<128xi32, #tpu.memory_space<hbm>>
      %dma_start3A_220 = arith.constant 0 : i32
      %dma_start3A_221 = tpu.memref_slice %arg10[%run_scoped3A_16, %dma_start3A_220] : memref<4x128xi32, #tpu.memory_space<vmem>> -> memref<1x128xi32, #tpu.memory_space<vmem>>
      %dma_start3A_222 = tpu.memref_squeeze %dma_start3A_221 : memref<1x128xi32, #tpu.memory_space<vmem>> -> memref<128xi32, #tpu.memory_space<vmem>>
      %dma_start3A_223 = tpu.memref_slice %arg4[%add3A_13] : memref<16384xi32, #tpu.memory_space<hbm>> -> memref<128xi32, #tpu.memory_space<hbm>>
      tpu.enqueue_dma source(%dma_start3A_223 : memref<128xi32, #tpu.memory_space<hbm>>) target(%dma_start3A_222 : memref<128xi32, #tpu.memory_space<vmem>>) target_semaphore(%run_scoped3A_215 : memref<!tpu.dma_semaphore, #tpu.memory_space<semaphore_mem>>)
      %dma_wait3A_224 = arith.constant 0 : i32
      %dma_wait3A_225 = tpu.memref_slice %arg10[%run_scoped3A_16, %dma_wait3A_224] : memref<4x128xi32, #tpu.memory_space<vmem>> -> memref<1x128xi32, #tpu.memory_space<vmem>>
      %dma_wait3A_226 = tpu.memref_squeeze %dma_wait3A_225 : memref<1x128xi32, #tpu.memory_space<vmem>> -> memref<128xi32, #tpu.memory_space<vmem>>
      %dma_wait3A_227 = tpu.memref_slice %arg4[%add3A_13] : memref<16384xi32, #tpu.memory_space<hbm>> -> memref<128xi32, #tpu.memory_space<hbm>>
      %dma_wait3A_228 = arith.constant 0 : i32
      %dma_wait3A_229 = tpu.memref_slice %arg10[%run_scoped3A_16, %dma_wait3A_228] : memref<4x128xi32, #tpu.memory_space<vmem>> -> memref<1x128xi32, #tpu.memory_space<vmem>>
      %dma_wait3A_230 = tpu.memref_squeeze %dma_wait3A_229 : memref<1x128xi32, #tpu.memory_space<vmem>> -> memref<128xi32, #tpu.memory_space<vmem>>
      %dma_wait3A_231 = tpu.memref_slice %arg4[%add3A_13] : memref<16384xi32, #tpu.memory_space<hbm>> -> memref<128xi32, #tpu.memory_space<hbm>>
      tpu.wait_dma2 semaphore(%run_scoped3A_215 : memref<!tpu.dma_semaphore, #tpu.memory_space<semaphore_mem>>) src(%dma_wait3A_231 : memref<128xi32, #tpu.memory_space<hbm>>) dst(%dma_wait3A_230 : memref<128xi32, #tpu.memory_space<vmem>>)
      tpu.yield
    }) : () -> ()
    %add3A_17 = arith.constant 384 : i32
    %add3A_18 = arith.addi %mul3A_2, %add3A_17 : i32
    %run_scoped3A_19 = arith.constant 3 : i32
    "tpu.region"() ({
      %run_scoped3A_215 = tpu.sem_alloc : memref<!tpu.dma_semaphore, #tpu.memory_space<semaphore_mem>>
      %dma_start3A_216 = arith.constant 0 : i32
      %dma_start3A_217 = tpu.memref_slice %arg8[%run_scoped3A_19, %dma_start3A_216] : memref<4x128xi32, #tpu.memory_space<vmem>> -> memref<1x128xi32, #tpu.memory_space<vmem>>
      %dma_start3A_218 = tpu.memref_squeeze %dma_start3A_217 : memref<1x128xi32, #tpu.memory_space<vmem>> -> memref<128xi32, #tpu.memory_space<vmem>>
      %dma_start3A_219 = tpu.memref_slice %arg2[%add3A_18] : memref<16384xi32, #tpu.memory_space<hbm>> -> memref<128xi32, #tpu.memory_space<hbm>>
      %dma_start3A_220 = arith.constant 0 : i32
      %dma_start3A_221 = tpu.memref_slice %arg8[%run_scoped3A_19, %dma_start3A_220] : memref<4x128xi32, #tpu.memory_space<vmem>> -> memref<1x128xi32, #tpu.memory_space<vmem>>
      %dma_start3A_222 = tpu.memref_squeeze %dma_start3A_221 : memref<1x128xi32, #tpu.memory_space<vmem>> -> memref<128xi32, #tpu.memory_space<vmem>>
      %dma_start3A_223 = tpu.memref_slice %arg2[%add3A_18] : memref<16384xi32, #tpu.memory_space<hbm>> -> memref<128xi32, #tpu.memory_space<hbm>>
      tpu.enqueue_dma source(%dma_start3A_223 : memref<128xi32, #tpu.memory_space<hbm>>) target(%dma_start3A_222 : memref<128xi32, #tpu.memory_space<vmem>>) target_semaphore(%run_scoped3A_215 : memref<!tpu.dma_semaphore, #tpu.memory_space<semaphore_mem>>)
      %dma_wait3A_224 = arith.constant 0 : i32
      %dma_wait3A_225 = tpu.memref_slice %arg8[%run_scoped3A_19, %dma_wait3A_224] : memref<4x128xi32, #tpu.memory_space<vmem>> -> memref<1x128xi32, #tpu.memory_space<vmem>>
      %dma_wait3A_226 = tpu.memref_squeeze %dma_wait3A_225 : memref<1x128xi32, #tpu.memory_space<vmem>> -> memref<128xi32, #tpu.memory_space<vmem>>
      %dma_wait3A_227 = tpu.memref_slice %arg2[%add3A_18] : memref<16384xi32, #tpu.memory_space<hbm>> -> memref<128xi32, #tpu.memory_space<hbm>>
      %dma_wait3A_228 = arith.constant 0 : i32
      %dma_wait3A_229 = tpu.memref_slice %arg8[%run_scoped3A_19, %dma_wait3A_228] : memref<4x128xi32, #tpu.memory_space<vmem>> -> memref<1x128xi32, #tpu.memory_space<vmem>>
      %dma_wait3A_230 = tpu.memref_squeeze %dma_wait3A_229 : memref<1x128xi32, #tpu.memory_space<vmem>> -> memref<128xi32, #tpu.memory_space<vmem>>
      %dma_wait3A_231 = tpu.memref_slice %arg2[%add3A_18] : memref<16384xi32, #tpu.memory_space<hbm>> -> memref<128xi32, #tpu.memory_space<hbm>>
      tpu.wait_dma2 semaphore(%run_scoped3A_215 : memref<!tpu.dma_semaphore, #tpu.memory_space<semaphore_mem>>) src(%dma_wait3A_231 : memref<128xi32, #tpu.memory_space<hbm>>) dst(%dma_wait3A_230 : memref<128xi32, #tpu.memory_space<vmem>>)
      tpu.yield
    }) : () -> ()
    %run_scoped3A_20 = arith.constant 3 : i32
    "tpu.region"() ({
      %run_scoped3A_215 = tpu.sem_alloc : memref<!tpu.dma_semaphore, #tpu.memory_space<semaphore_mem>>
      %dma_start3A_216 = arith.constant 0 : i32
      %dma_start3A_217 = tpu.memref_slice %arg9[%run_scoped3A_20, %dma_start3A_216] : memref<4x128xi32, #tpu.memory_space<vmem>> -> memref<1x128xi32, #tpu.memory_space<vmem>>
      %dma_start3A_218 = tpu.memref_squeeze %dma_start3A_217 : memref<1x128xi32, #tpu.memory_space<vmem>> -> memref<128xi32, #tpu.memory_space<vmem>>
      %dma_start3A_219 = tpu.memref_slice %arg3[%add3A_18] : memref<16384xi32, #tpu.memory_space<hbm>> -> memref<128xi32, #tpu.memory_space<hbm>>
      %dma_start3A_220 = arith.constant 0 : i32
      %dma_start3A_221 = tpu.memref_slice %arg9[%run_scoped3A_20, %dma_start3A_220] : memref<4x128xi32, #tpu.memory_space<vmem>> -> memref<1x128xi32, #tpu.memory_space<vmem>>
      %dma_start3A_222 = tpu.memref_squeeze %dma_start3A_221 : memref<1x128xi32, #tpu.memory_space<vmem>> -> memref<128xi32, #tpu.memory_space<vmem>>
      %dma_start3A_223 = tpu.memref_slice %arg3[%add3A_18] : memref<16384xi32, #tpu.memory_space<hbm>> -> memref<128xi32, #tpu.memory_space<hbm>>
      tpu.enqueue_dma source(%dma_start3A_223 : memref<128xi32, #tpu.memory_space<hbm>>) target(%dma_start3A_222 : memref<128xi32, #tpu.memory_space<vmem>>) target_semaphore(%run_scoped3A_215 : memref<!tpu.dma_semaphore, #tpu.memory_space<semaphore_mem>>)
      %dma_wait3A_224 = arith.constant 0 : i32
      %dma_wait3A_225 = tpu.memref_slice %arg9[%run_scoped3A_20, %dma_wait3A_224] : memref<4x128xi32, #tpu.memory_space<vmem>> -> memref<1x128xi32, #tpu.memory_space<vmem>>
      %dma_wait3A_226 = tpu.memref_squeeze %dma_wait3A_225 : memref<1x128xi32, #tpu.memory_space<vmem>> -> memref<128xi32, #tpu.memory_space<vmem>>
      %dma_wait3A_227 = tpu.memref_slice %arg3[%add3A_18] : memref<16384xi32, #tpu.memory_space<hbm>> -> memref<128xi32, #tpu.memory_space<hbm>>
      %dma_wait3A_228 = arith.constant 0 : i32
      %dma_wait3A_229 = tpu.memref_slice %arg9[%run_scoped3A_20, %dma_wait3A_228] : memref<4x128xi32, #tpu.memory_space<vmem>> -> memref<1x128xi32, #tpu.memory_space<vmem>>
      %dma_wait3A_230 = tpu.memref_squeeze %dma_wait3A_229 : memref<1x128xi32, #tpu.memory_space<vmem>> -> memref<128xi32, #tpu.memory_space<vmem>>
      %dma_wait3A_231 = tpu.memref_slice %arg3[%add3A_18] : memref<16384xi32, #tpu.memory_space<hbm>> -> memref<128xi32, #tpu.memory_space<hbm>>
      tpu.wait_dma2 semaphore(%run_scoped3A_215 : memref<!tpu.dma_semaphore, #tpu.memory_space<semaphore_mem>>) src(%dma_wait3A_231 : memref<128xi32, #tpu.memory_space<hbm>>) dst(%dma_wait3A_230 : memref<128xi32, #tpu.memory_space<vmem>>)
      tpu.yield
    }) : () -> ()
    %run_scoped3A_21 = arith.constant 3 : i32
    "tpu.region"() ({
      %run_scoped3A_215 = tpu.sem_alloc : memref<!tpu.dma_semaphore, #tpu.memory_space<semaphore_mem>>
      %dma_start3A_216 = arith.constant 0 : i32
      %dma_start3A_217 = tpu.memref_slice %arg10[%run_scoped3A_21, %dma_start3A_216] : memref<4x128xi32, #tpu.memory_space<vmem>> -> memref<1x128xi32, #tpu.memory_space<vmem>>
      %dma_start3A_218 = tpu.memref_squeeze %dma_start3A_217 : memref<1x128xi32, #tpu.memory_space<vmem>> -> memref<128xi32, #tpu.memory_space<vmem>>
      %dma_start3A_219 = tpu.memref_slice %arg4[%add3A_18] : memref<16384xi32, #tpu.memory_space<hbm>> -> memref<128xi32, #tpu.memory_space<hbm>>
      %dma_start3A_220 = arith.constant 0 : i32
      %dma_start3A_221 = tpu.memref_slice %arg10[%run_scoped3A_21, %dma_start3A_220] : memref<4x128xi32, #tpu.memory_space<vmem>> -> memref<1x128xi32, #tpu.memory_space<vmem>>
      %dma_start3A_222 = tpu.memref_squeeze %dma_start3A_221 : memref<1x128xi32, #tpu.memory_space<vmem>> -> memref<128xi32, #tpu.memory_space<vmem>>
      %dma_start3A_223 = tpu.memref_slice %arg4[%add3A_18] : memref<16384xi32, #tpu.memory_space<hbm>> -> memref<128xi32, #tpu.memory_space<hbm>>
      tpu.enqueue_dma source(%dma_start3A_223 : memref<128xi32, #tpu.memory_space<hbm>>) target(%dma_start3A_222 : memref<128xi32, #tpu.memory_space<vmem>>) target_semaphore(%run_scoped3A_215 : memref<!tpu.dma_semaphore, #tpu.memory_space<semaphore_mem>>)
      %dma_wait3A_224 = arith.constant 0 : i32
      %dma_wait3A_225 = tpu.memref_slice %arg10[%run_scoped3A_21, %dma_wait3A_224] : memref<4x128xi32, #tpu.memory_space<vmem>> -> memref<1x128xi32, #tpu.memory_space<vmem>>
      %dma_wait3A_226 = tpu.memref_squeeze %dma_wait3A_225 : memref<1x128xi32, #tpu.memory_space<vmem>> -> memref<128xi32, #tpu.memory_space<vmem>>
      %dma_wait3A_227 = tpu.memref_slice %arg4[%add3A_18] : memref<16384xi32, #tpu.memory_space<hbm>> -> memref<128xi32, #tpu.memory_space<hbm>>
      %dma_wait3A_228 = arith.constant 0 : i32
      %dma_wait3A_229 = tpu.memref_slice %arg10[%run_scoped3A_21, %dma_wait3A_228] : memref<4x128xi32, #tpu.memory_space<vmem>> -> memref<1x128xi32, #tpu.memory_space<vmem>>
      %dma_wait3A_230 = tpu.memref_squeeze %dma_wait3A_229 : memref<1x128xi32, #tpu.memory_space<vmem>> -> memref<128xi32, #tpu.memory_space<vmem>>
      %dma_wait3A_231 = tpu.memref_slice %arg4[%add3A_18] : memref<16384xi32, #tpu.memory_space<hbm>> -> memref<128xi32, #tpu.memory_space<hbm>>
      tpu.wait_dma2 semaphore(%run_scoped3A_215 : memref<!tpu.dma_semaphore, #tpu.memory_space<semaphore_mem>>) src(%dma_wait3A_231 : memref<128xi32, #tpu.memory_space<hbm>>) dst(%dma_wait3A_230 : memref<128xi32, #tpu.memory_space<vmem>>)
      tpu.yield
    }) : () -> ()
    %iota3A = tpu.iota {dimensions = array<i32: 0>} : vector<16xi32>
    %dma_start3A = arith.constant 0 : i32
    %dma_start3A_22 = arith.constant 0 : i32
    %dma_start3A_23 = tpu.memref_slice %arg8[%dma_start3A, %dma_start3A_22] : memref<4x128xi32, #tpu.memory_space<vmem>> -> memref<1x128xi32, #tpu.memory_space<vmem>>
    %dma_start3A_24 = tpu.memref_squeeze %dma_start3A_23 : memref<1x128xi32, #tpu.memory_space<vmem>> -> memref<128xi32, #tpu.memory_space<vmem>>
    %dma_start3A_25 = arith.constant 0 : i32
    %dma_start3A_26 = arith.constant 0 : i32
    %dma_start3A_27 = tpu.memref_slice %arg5[%dma_start3A_25, %dma_start3A_26] : memref<1000000x64xf32, #tpu.memory_space<hbm>> -> memref<1000000x64xf32, #tpu.memory_space<hbm>>
    tpu.enqueue_indirect_dma source(%dma_start3A_27 : memref<1000000x64xf32, #tpu.memory_space<hbm>>) target(%arg11 : memref<128x64xf32, #tpu.memory_space<vmem>>) offsets(%dma_start3A_24 : memref<128xi32, #tpu.memory_space<vmem>>) semaphore(%arg15 : memref<!tpu.dma_semaphore, #tpu.memory_space<semaphore_mem>>)
    %dma_start3A_28 = arith.constant 0 : i32
    %dma_start3A_29 = arith.constant 0 : i32
    %dma_start3A_30 = tpu.memref_slice %arg9[%dma_start3A_28, %dma_start3A_29] : memref<4x128xi32, #tpu.memory_space<vmem>> -> memref<1x128xi32, #tpu.memory_space<vmem>>
    %dma_start3A_31 = tpu.memref_squeeze %dma_start3A_30 : memref<1x128xi32, #tpu.memory_space<vmem>> -> memref<128xi32, #tpu.memory_space<vmem>>
    %dma_start3A_32 = arith.constant 0 : i32
    %dma_start3A_33 = arith.constant 0 : i32
    %dma_start3A_34 = tpu.memref_slice %arg6[%dma_start3A_32, %dma_start3A_33] : memref<1000x64xf32, #tpu.memory_space<hbm>> -> memref<1000x64xf32, #tpu.memory_space<hbm>>
    tpu.enqueue_indirect_dma source(%dma_start3A_34 : memref<1000x64xf32, #tpu.memory_space<hbm>>) target(%arg12 : memref<128x64xf32, #tpu.memory_space<vmem>>) offsets(%dma_start3A_31 : memref<128xi32, #tpu.memory_space<vmem>>) semaphore(%arg15 : memref<!tpu.dma_semaphore, #tpu.memory_space<semaphore_mem>>)
    %dma_start3A_35 = arith.constant 0 : i32
    %dma_start3A_36 = arith.constant 0 : i32
    %dma_start3A_37 = tpu.memref_slice %arg10[%dma_start3A_35, %dma_start3A_36] : memref<4x128xi32, #tpu.memory_space<vmem>> -> memref<1x128xi32, #tpu.memory_space<vmem>>
    %dma_start3A_38 = tpu.memref_squeeze %dma_start3A_37 : memref<1x128xi32, #tpu.memory_space<vmem>> -> memref<128xi32, #tpu.memory_space<vmem>>
    %dma_start3A_39 = arith.constant 0 : i32
    %dma_start3A_40 = arith.constant 0 : i32
    %dma_start3A_41 = tpu.memref_slice %arg5[%dma_start3A_39, %dma_start3A_40] : memref<1000000x64xf32, #tpu.memory_space<hbm>> -> memref<1000000x64xf32, #tpu.memory_space<hbm>>
    tpu.enqueue_indirect_dma source(%dma_start3A_41 : memref<1000000x64xf32, #tpu.memory_space<hbm>>) target(%arg13 : memref<128x64xf32, #tpu.memory_space<vmem>>) offsets(%dma_start3A_38 : memref<128xi32, #tpu.memory_space<vmem>>) semaphore(%arg15 : memref<!tpu.dma_semaphore, #tpu.memory_space<semaphore_mem>>)
    %dma_wait3A = arith.constant 0 : i32
    %dma_wait3A_42 = arith.constant 0 : i32
    %dma_wait3A_43 = tpu.memref_slice %arg8[%dma_wait3A, %dma_wait3A_42] : memref<4x128xi32, #tpu.memory_space<vmem>> -> memref<1x128xi32, #tpu.memory_space<vmem>>
    %dma_wait3A_44 = tpu.memref_squeeze %dma_wait3A_43 : memref<1x128xi32, #tpu.memory_space<vmem>> -> memref<128xi32, #tpu.memory_space<vmem>>
    %dma_wait3A_45 = arith.constant 0 : i32
    %dma_wait3A_46 = arith.constant 0 : i32
    %dma_wait3A_47 = tpu.memref_slice %arg5[%dma_wait3A_45, %dma_wait3A_46] : memref<1000000x64xf32, #tpu.memory_space<hbm>> -> memref<1000000x64xf32, #tpu.memory_space<hbm>>
    tpu.wait_indirect_dma semaphore(%arg15 : memref<!tpu.dma_semaphore, #tpu.memory_space<semaphore_mem>>) src(%dma_wait3A_47 : memref<1000000x64xf32, #tpu.memory_space<hbm>>) dst(%arg11 : memref<128x64xf32, #tpu.memory_space<vmem>>)
    %dma_wait3A_48 = arith.constant 0 : i32
    %dma_wait3A_49 = arith.constant 0 : i32
    %dma_wait3A_50 = tpu.memref_slice %arg9[%dma_wait3A_48, %dma_wait3A_49] : memref<4x128xi32, #tpu.memory_space<vmem>> -> memref<1x128xi32, #tpu.memory_space<vmem>>
    %dma_wait3A_51 = tpu.memref_squeeze %dma_wait3A_50 : memref<1x128xi32, #tpu.memory_space<vmem>> -> memref<128xi32, #tpu.memory_space<vmem>>
    %dma_wait3A_52 = arith.constant 0 : i32
    %dma_wait3A_53 = arith.constant 0 : i32
    %dma_wait3A_54 = tpu.memref_slice %arg6[%dma_wait3A_52, %dma_wait3A_53] : memref<1000x64xf32, #tpu.memory_space<hbm>> -> memref<1000x64xf32, #tpu.memory_space<hbm>>
    tpu.wait_indirect_dma semaphore(%arg15 : memref<!tpu.dma_semaphore, #tpu.memory_space<semaphore_mem>>) src(%dma_wait3A_54 : memref<1000x64xf32, #tpu.memory_space<hbm>>) dst(%arg12 : memref<128x64xf32, #tpu.memory_space<vmem>>)
    %dma_wait3A_55 = arith.constant 0 : i32
    %dma_wait3A_56 = arith.constant 0 : i32
    %dma_wait3A_57 = tpu.memref_slice %arg10[%dma_wait3A_55, %dma_wait3A_56] : memref<4x128xi32, #tpu.memory_space<vmem>> -> memref<1x128xi32, #tpu.memory_space<vmem>>
    %dma_wait3A_58 = tpu.memref_squeeze %dma_wait3A_57 : memref<1x128xi32, #tpu.memory_space<vmem>> -> memref<128xi32, #tpu.memory_space<vmem>>
    %dma_wait3A_59 = arith.constant 0 : i32
    %dma_wait3A_60 = arith.constant 0 : i32
    %dma_wait3A_61 = tpu.memref_slice %arg5[%dma_wait3A_59, %dma_wait3A_60] : memref<1000000x64xf32, #tpu.memory_space<hbm>> -> memref<1000000x64xf32, #tpu.memory_space<hbm>>
    tpu.wait_indirect_dma semaphore(%arg15 : memref<!tpu.dma_semaphore, #tpu.memory_space<semaphore_mem>>) src(%dma_wait3A_61 : memref<1000000x64xf32, #tpu.memory_space<hbm>>) dst(%arg13 : memref<128x64xf32, #tpu.memory_space<vmem>>)
    %scan3A = arith.constant 0 : i32
    %scan3A_62 = arith.constant 0 : i32
    %scan3A_63 = arith.constant 8 : i32
    %scan3A_64 = arith.addi %scan3A_62, %scan3A_63 : i32
    %scan3A_65 = arith.constant 1 : i32
    %scan3A_66 = scf.for %scan3A_215 = %scan3A_62 to %scan3A_64 step %scan3A_65 iter_args(%scan3A_216 = %scan3A) -> (i32)  : i32 {
      %mul3A_217 = arith.constant 16 : i32
      %mul3A_218 = arith.muli %scan3A_215, %mul3A_217 : i32
      %add3A_219 = vector.broadcast %mul3A_218 : i32 to vector<16xi32>
      %add3A_220 = arith.addi %iota3A, %add3A_219 : vector<16xi32>
      %broadcast_in_dim3A = arith.constant 0.000000e+00 : f32
      %broadcast_in_dim3A_221 = vector.broadcast %broadcast_in_dim3A : f32 to vector<16xf32>
      %scan3A_222 = arith.constant 0 : i32
      %scan3A_223 = arith.constant 64 : i32
      %scan3A_224 = arith.addi %scan3A_222, %scan3A_223 : i32
      %scan3A_225 = arith.constant 1 : i32
      %scan3A_226:6 = scf.for %scan3A_348 = %scan3A_222 to %scan3A_224 step %scan3A_225 iter_args(%scan3A_349 = %broadcast_in_dim3A_221, %scan3A_350 = %broadcast_in_dim3A_221, %scan3A_351 = %broadcast_in_dim3A_221, %scan3A_352 = %broadcast_in_dim3A_221, %scan3A_353 = %broadcast_in_dim3A_221, %scan3A_354 = %broadcast_in_dim3A_221) -> (vector<16xf32>, vector<16xf32>, vector<16xf32>, vector<16xf32>, vector<16xf32>, vector<16xf32>)  : i32 {
        %broadcast_in_dim3A_355 = vector.broadcast %scan3A_348 : i32 to vector<16xi32>
        %gather3A = tpu.vector_load_idx %arg11[%add3A_220, %broadcast_in_dim3A_355] : memref<128x64xf32, #tpu.memory_space<vmem>>[vector<16xi32>, vector<16xi32>], vector<16xf32>,
        %gather3A_356 = tpu.vector_load_idx %arg12[%add3A_220, %broadcast_in_dim3A_355] : memref<128x64xf32, #tpu.memory_space<vmem>>[vector<16xi32>, vector<16xi32>], vector<16xf32>,
        %gather3A_357 = tpu.vector_load_idx %arg13[%add3A_220, %broadcast_in_dim3A_355] : memref<128x64xf32, #tpu.memory_space<vmem>>[vector<16xi32>, vector<16xi32>], vector<16xf32>,
        %mul3A_358 = arith.mulf %gather3A, %gather3A : vector<16xf32>
        %add3A_359 = arith.addf %scan3A_349, %mul3A_358 : vector<16xf32>
        %mul3A_360 = arith.mulf %gather3A_357, %gather3A_357 : vector<16xf32>
        %add3A_361 = arith.addf %scan3A_350, %mul3A_360 : vector<16xf32>
        %mul3A_362 = arith.mulf %gather3A_356, %gather3A_356 : vector<16xf32>
        %add3A_363 = arith.addf %scan3A_351, %mul3A_362 : vector<16xf32>
        %mul3A_364 = arith.mulf %gather3A, %gather3A_356 : vector<16xf32>
        %add3A_365 = arith.addf %scan3A_352, %mul3A_364 : vector<16xf32>
        %mul3A_366 = arith.mulf %gather3A, %gather3A_357 : vector<16xf32>
        %add3A_367 = arith.addf %scan3A_353, %mul3A_366 : vector<16xf32>
        %mul3A_368 = arith.mulf %gather3A_356, %gather3A_357 : vector<16xf32>
        %add3A_369 = arith.addf %scan3A_354, %mul3A_368 : vector<16xf32>
        scf.yield %add3A_359, %add3A_361, %add3A_363, %add3A_365, %add3A_367, %add3A_369 : vector<16xf32>, vector<16xf32>, vector<16xf32>, vector<16xf32>, vector<16xf32>, vector<16xf32>
      }
      %scan3A_227 = arith.constant 64 : i32
      %max3A = arith.constant 1.000000e-24 : f32
      %max3A_228 = vector.broadcast %max3A : f32 to vector<16xf32>
      %max3A_229 = arith.maximumf %scan3A_226#0, %max3A_228 : vector<16xf32>
      %bitcast3A = vector.bitcast %max3A_229 : vector<16xf32> to vector<16xi32>
      %shift_right_arithmetic3A = arith.constant 1 : i32
      %shift_right_arithmetic3A_230 = vector.broadcast %shift_right_arithmetic3A : i32 to vector<16xi32>
      %shift_right_arithmetic3A_231 = arith.shrsi %bitcast3A, %shift_right_arithmetic3A_230 : vector<16xi32>
      %sub3A = arith.constant 1597463007 : i32
      %sub3A_232 = vector.broadcast %sub3A : i32 to vector<16xi32>
      %sub3A_233 = arith.subi %sub3A_232, %shift_right_arithmetic3A_231 : vector<16xi32>
      %bitcast3A_234 = vector.bitcast %sub3A_233 : vector<16xi32> to vector<16xf32>
      %mul3A_235 = arith.constant 5.000000e-01 : f32
      %mul3A_236 = vector.broadcast %mul3A_235 : f32 to vector<16xf32>
      %mul3A_237 = arith.mulf %mul3A_236, %max3A_229 : vector<16xf32>
      %mul3A_238 = arith.mulf %mul3A_237, %bitcast3A_234 : vector<16xf32>
      %mul3A_239 = arith.mulf %mul3A_238, %bitcast3A_234 : vector<16xf32>
      %sub3A_240 = arith.constant 1.500000e+00 : f32
      %sub3A_241 = vector.broadcast %sub3A_240 : f32 to vector<16xf32>
      %sub3A_242 = arith.subf %sub3A_241, %mul3A_239 : vector<16xf32>
      %mul3A_243 = arith.mulf %bitcast3A_234, %sub3A_242 : vector<16xf32>
      %mul3A_244 = arith.mulf %mul3A_237, %mul3A_243 : vector<16xf32>
      %mul3A_245 = arith.mulf %mul3A_244, %mul3A_243 : vector<16xf32>
      %sub3A_246 = arith.constant 1.500000e+00 : f32
      %sub3A_247 = vector.broadcast %sub3A_246 : f32 to vector<16xf32>
      %sub3A_248 = arith.subf %sub3A_247, %mul3A_245 : vector<16xf32>
      %mul3A_249 = arith.mulf %mul3A_243, %sub3A_248 : vector<16xf32>
      %mul3A_250 = arith.mulf %mul3A_237, %mul3A_249 : vector<16xf32>
      %mul3A_251 = arith.mulf %mul3A_250, %mul3A_249 : vector<16xf32>
      %sub3A_252 = arith.constant 1.500000e+00 : f32
      %sub3A_253 = vector.broadcast %sub3A_252 : f32 to vector<16xf32>
      %sub3A_254 = arith.subf %sub3A_253, %mul3A_251 : vector<16xf32>
      %mul3A_255 = arith.mulf %mul3A_249, %sub3A_254 : vector<16xf32>
      %max3A_256 = arith.constant 1.000000e-24 : f32
      %max3A_257 = vector.broadcast %max3A_256 : f32 to vector<16xf32>
      %max3A_258 = arith.maximumf %scan3A_226#1, %max3A_257 : vector<16xf32>
      %bitcast3A_259 = vector.bitcast %max3A_258 : vector<16xf32> to vector<16xi32>
      %shift_right_arithmetic3A_260 = arith.constant 1 : i32
      %shift_right_arithmetic3A_261 = vector.broadcast %shift_right_arithmetic3A_260 : i32 to vector<16xi32>
      %shift_right_arithmetic3A_262 = arith.shrsi %bitcast3A_259, %shift_right_arithmetic3A_261 : vector<16xi32>
      %sub3A_263 = arith.constant 1597463007 : i32
      %sub3A_264 = vector.broadcast %sub3A_263 : i32 to vector<16xi32>
      %sub3A_265 = arith.subi %sub3A_264, %shift_right_arithmetic3A_262 : vector<16xi32>
      %bitcast3A_266 = vector.bitcast %sub3A_265 : vector<16xi32> to vector<16xf32>
      %mul3A_267 = arith.constant 5.000000e-01 : f32
      %mul3A_268 = vector.broadcast %mul3A_267 : f32 to vector<16xf32>
      %mul3A_269 = arith.mulf %mul3A_268, %max3A_258 : vector<16xf32>
      %mul3A_270 = arith.mulf %mul3A_269, %bitcast3A_266 : vector<16xf32>
      %mul3A_271 = arith.mulf %mul3A_270, %bitcast3A_266 : vector<16xf32>
      %sub3A_272 = arith.constant 1.500000e+00 : f32
      %sub3A_273 = vector.broadcast %sub3A_272 : f32 to vector<16xf32>
      %sub3A_274 = arith.subf %sub3A_273, %mul3A_271 : vector<16xf32>
      %mul3A_275 = arith.mulf %bitcast3A_266, %sub3A_274 : vector<16xf32>
      %mul3A_276 = arith.mulf %mul3A_269, %mul3A_275 : vector<16xf32>
      %mul3A_277 = arith.mulf %mul3A_276, %mul3A_275 : vector<16xf32>
      %sub3A_278 = arith.constant 1.500000e+00 : f32
      %sub3A_279 = vector.broadcast %sub3A_278 : f32 to vector<16xf32>
      %sub3A_280 = arith.subf %sub3A_279, %mul3A_277 : vector<16xf32>
      %mul3A_281 = arith.mulf %mul3A_275, %sub3A_280 : vector<16xf32>
      %mul3A_282 = arith.mulf %mul3A_269, %mul3A_281 : vector<16xf32>
      %mul3A_283 = arith.mulf %mul3A_282, %mul3A_281 : vector<16xf32>
      %sub3A_284 = arith.constant 1.500000e+00 : f32
      %sub3A_285 = vector.broadcast %sub3A_284 : f32 to vector<16xf32>
      %sub3A_286 = arith.subf %sub3A_285, %mul3A_283 : vector<16xf32>
      %mul3A_287 = arith.mulf %mul3A_281, %sub3A_286 : vector<16xf32>
      %mul3A_288 = arith.mulf %scan3A_226#0, %mul3A_255 : vector<16xf32>
      %mul3A_289 = arith.mulf %mul3A_288, %mul3A_255 : vector<16xf32>
      %mul3A_290 = arith.mulf %scan3A_226#1, %mul3A_287 : vector<16xf32>
      %mul3A_291 = arith.mulf %mul3A_290, %mul3A_287 : vector<16xf32>
      %add3A_292 = arith.addf %mul3A_289, %mul3A_291 : vector<16xf32>
      %add3A_293 = arith.addf %add3A_292, %scan3A_226#2 : vector<16xf32>
      %mul3A_294 = arith.mulf %scan3A_226#3, %mul3A_255 : vector<16xf32>
      %mul3A_295 = arith.mulf %scan3A_226#4, %mul3A_255 : vector<16xf32>
      %mul3A_296 = arith.mulf %mul3A_295, %mul3A_287 : vector<16xf32>
      %sub3A_297 = arith.subf %mul3A_294, %mul3A_296 : vector<16xf32>
      %mul3A_298 = arith.mulf %scan3A_226#5, %mul3A_287 : vector<16xf32>
      %sub3A_299 = arith.subf %sub3A_297, %mul3A_298 : vector<16xf32>
      %mul3A_300 = arith.constant 2.000000e+00 : f32
      %mul3A_301 = vector.broadcast %mul3A_300 : f32 to vector<16xf32>
      %mul3A_302 = arith.mulf %mul3A_301, %sub3A_299 : vector<16xf32>
      %add3A_303 = arith.addf %add3A_293, %mul3A_302 : vector<16xf32>
      %max3A_304 = arith.constant 0.000000e+00 : f32
      %max3A_305 = vector.broadcast %max3A_304 : f32 to vector<16xf32>
      %max3A_306 = arith.maximumf %add3A_303, %max3A_305 : vector<16xf32>
      %max3A_307 = arith.constant 1.000000e-24 : f32
      %max3A_308 = vector.broadcast %max3A_307 : f32 to vector<16xf32>
      %max3A_309 = arith.maximumf %max3A_306, %max3A_308 : vector<16xf32>
      %bitcast3A_310 = vector.bitcast %max3A_309 : vector<16xf32> to vector<16xi32>
      %shift_right_arithmetic3A_311 = arith.constant 1 : i32
      %shift_right_arithmetic3A_312 = vector.broadcast %shift_right_arithmetic3A_311 : i32 to vector<16xi32>
      %shift_right_arithmetic3A_313 = arith.shrsi %bitcast3A_310, %shift_right_arithmetic3A_312 : vector<16xi32>
      %sub3A_314 = arith.constant 1597463007 : i32
      %sub3A_315 = vector.broadcast %sub3A_314 : i32 to vector<16xi32>
      %sub3A_316 = arith.subi %sub3A_315, %shift_right_arithmetic3A_313 : vector<16xi32>
      %bitcast3A_317 = vector.bitcast %sub3A_316 : vector<16xi32> to vector<16xf32>
      %mul3A_318 = arith.constant 5.000000e-01 : f32
      %mul3A_319 = vector.broadcast %mul3A_318 : f32 to vector<16xf32>
      %mul3A_320 = arith.mulf %mul3A_319, %max3A_309 : vector<16xf32>
      %mul3A_321 = arith.mulf %mul3A_320, %bitcast3A_317 : vector<16xf32>
      %mul3A_322 = arith.mulf %mul3A_321, %bitcast3A_317 : vector<16xf32>
      %sub3A_323 = arith.constant 1.500000e+00 : f32
      %sub3A_324 = vector.broadcast %sub3A_323 : f32 to vector<16xf32>
      %sub3A_325 = arith.subf %sub3A_324, %mul3A_322 : vector<16xf32>
      %mul3A_326 = arith.mulf %bitcast3A_317, %sub3A_325 : vector<16xf32>
      %mul3A_327 = arith.mulf %mul3A_320, %mul3A_326 : vector<16xf32>
      %mul3A_328 = arith.mulf %mul3A_327, %mul3A_326 : vector<16xf32>
      %sub3A_329 = arith.constant 1.500000e+00 : f32
      %sub3A_330 = vector.broadcast %sub3A_329 : f32 to vector<16xf32>
      %sub3A_331 = arith.subf %sub3A_330, %mul3A_328 : vector<16xf32>
      %mul3A_332 = arith.mulf %mul3A_326, %sub3A_331 : vector<16xf32>
      %mul3A_333 = arith.mulf %mul3A_320, %mul3A_332 : vector<16xf32>
      %mul3A_334 = arith.mulf %mul3A_333, %mul3A_332 : vector<16xf32>
      %sub3A_335 = arith.constant 1.500000e+00 : f32
      %sub3A_336 = vector.broadcast %sub3A_335 : f32 to vector<16xf32>
      %sub3A_337 = arith.subf %sub3A_336, %mul3A_334 : vector<16xf32>
      %mul3A_338 = arith.mulf %mul3A_332, %sub3A_337 : vector<16xf32>
      %mul3A_339 = arith.mulf %max3A_306, %mul3A_338 : vector<16xf32>
      %neg3A = arith.constant 0.000000e+00 : f32
      %neg3A_340 = vector.broadcast %neg3A : f32 to vector<16xf32>
      %neg3A_341 = arith.subf %neg3A_340, %mul3A_339 : vector<16xf32>
      %mul3A_342 = arith.constant 16 : i32
      %mul3A_343 = arith.muli %scan3A_215, %mul3A_342 : i32
      %add3A_344 = arith.constant 0 : i32
      %add3A_345 = arith.addi %add3A_344, %mul3A_343 : i32
      %swap3A = arith.index_cast %add3A_345 : i32 to index
      %swap3A_346 = tpu.vector_load %arg14[%swap3A] {strides = array<i32>} : memref<512xf32, #tpu.memory_space<vmem>>, vector<16xf32>,
      tpu.vector_store %arg14[%swap3A], %neg3A_341 {strides = array<i32>} : memref<512xf32, #tpu.memory_space<vmem>>, vector<16xf32>,
      %scan3A_347 = arith.constant 0 : i32
      scf.yield %scan3A_347 : i32
    }
    %scan3A_67 = arith.constant 8 : i32
    %dma_start3A_68 = arith.constant 1 : i32
    %dma_start3A_69 = arith.constant 0 : i32
    %dma_start3A_70 = tpu.memref_slice %arg8[%dma_start3A_68, %dma_start3A_69] : memref<4x128xi32, #tpu.memory_space<vmem>> -> memref<1x128xi32, #tpu.memory_space<vmem>>
    %dma_start3A_71 = tpu.memref_squeeze %dma_start3A_70 : memref<1x128xi32, #tpu.memory_space<vmem>> -> memref<128xi32, #tpu.memory_space<vmem>>
    %dma_start3A_72 = arith.constant 0 : i32
    %dma_start3A_73 = arith.constant 0 : i32
    %dma_start3A_74 = tpu.memref_slice %arg5[%dma_start3A_72, %dma_start3A_73] : memref<1000000x64xf32, #tpu.memory_space<hbm>> -> memref<1000000x64xf32, #tpu.memory_space<hbm>>
    tpu.enqueue_indirect_dma source(%dma_start3A_74 : memref<1000000x64xf32, #tpu.memory_space<hbm>>) target(%arg11 : memref<128x64xf32, #tpu.memory_space<vmem>>) offsets(%dma_start3A_71 : memref<128xi32, #tpu.memory_space<vmem>>) semaphore(%arg15 : memref<!tpu.dma_semaphore, #tpu.memory_space<semaphore_mem>>)
    %dma_start3A_75 = arith.constant 1 : i32
    %dma_start3A_76 = arith.constant 0 : i32
    %dma_start3A_77 = tpu.memref_slice %arg9[%dma_start3A_75, %dma_start3A_76] : memref<4x128xi32, #tpu.memory_space<vmem>> -> memref<1x128xi32, #tpu.memory_space<vmem>>
    %dma_start3A_78 = tpu.memref_squeeze %dma_start3A_77 : memref<1x128xi32, #tpu.memory_space<vmem>> -> memref<128xi32, #tpu.memory_space<vmem>>
    %dma_start3A_79 = arith.constant 0 : i32
    %dma_start3A_80 = arith.constant 0 : i32
    %dma_start3A_81 = tpu.memref_slice %arg6[%dma_start3A_79, %dma_start3A_80] : memref<1000x64xf32, #tpu.memory_space<hbm>> -> memref<1000x64xf32, #tpu.memory_space<hbm>>
    tpu.enqueue_indirect_dma source(%dma_start3A_81 : memref<1000x64xf32, #tpu.memory_space<hbm>>) target(%arg12 : memref<128x64xf32, #tpu.memory_space<vmem>>) offsets(%dma_start3A_78 : memref<128xi32, #tpu.memory_space<vmem>>) semaphore(%arg15 : memref<!tpu.dma_semaphore, #tpu.memory_space<semaphore_mem>>)
    %dma_start3A_82 = arith.constant 1 : i32
    %dma_start3A_83 = arith.constant 0 : i32
    %dma_start3A_84 = tpu.memref_slice %arg10[%dma_start3A_82, %dma_start3A_83] : memref<4x128xi32, #tpu.memory_space<vmem>> -> memref<1x128xi32, #tpu.memory_space<vmem>>
    %dma_start3A_85 = tpu.memref_squeeze %dma_start3A_84 : memref<1x128xi32, #tpu.memory_space<vmem>> -> memref<128xi32, #tpu.memory_space<vmem>>
    %dma_start3A_86 = arith.constant 0 : i32
    %dma_start3A_87 = arith.constant 0 : i32
    %dma_start3A_88 = tpu.memref_slice %arg5[%dma_start3A_86, %dma_start3A_87] : memref<1000000x64xf32, #tpu.memory_space<hbm>> -> memref<1000000x64xf32, #tpu.memory_space<hbm>>
    tpu.enqueue_indirect_dma source(%dma_start3A_88 : memref<1000000x64xf32, #tpu.memory_space<hbm>>) target(%arg13 : memref<128x64xf32, #tpu.memory_space<vmem>>) offsets(%dma_start3A_85 : memref<128xi32, #tpu.memory_space<vmem>>) semaphore(%arg15 : memref<!tpu.dma_semaphore, #tpu.memory_space<semaphore_mem>>)
    %dma_wait3A_89 = arith.constant 1 : i32
    %dma_wait3A_90 = arith.constant 0 : i32
    %dma_wait3A_91 = tpu.memref_slice %arg8[%dma_wait3A_89, %dma_wait3A_90] : memref<4x128xi32, #tpu.memory_space<vmem>> -> memref<1x128xi32, #tpu.memory_space<vmem>>
    %dma_wait3A_92 = tpu.memref_squeeze %dma_wait3A_91 : memref<1x128xi32, #tpu.memory_space<vmem>> -> memref<128xi32, #tpu.memory_space<vmem>>
    %dma_wait3A_93 = arith.constant 0 : i32
    %dma_wait3A_94 = arith.constant 0 : i32
    %dma_wait3A_95 = tpu.memref_slice %arg5[%dma_wait3A_93, %dma_wait3A_94] : memref<1000000x64xf32, #tpu.memory_space<hbm>> -> memref<1000000x64xf32, #tpu.memory_space<hbm>>
    tpu.wait_indirect_dma semaphore(%arg15 : memref<!tpu.dma_semaphore, #tpu.memory_space<semaphore_mem>>) src(%dma_wait3A_95 : memref<1000000x64xf32, #tpu.memory_space<hbm>>) dst(%arg11 : memref<128x64xf32, #tpu.memory_space<vmem>>)
    %dma_wait3A_96 = arith.constant 1 : i32
    %dma_wait3A_97 = arith.constant 0 : i32
    %dma_wait3A_98 = tpu.memref_slice %arg9[%dma_wait3A_96, %dma_wait3A_97] : memref<4x128xi32, #tpu.memory_space<vmem>> -> memref<1x128xi32, #tpu.memory_space<vmem>>
    %dma_wait3A_99 = tpu.memref_squeeze %dma_wait3A_98 : memref<1x128xi32, #tpu.memory_space<vmem>> -> memref<128xi32, #tpu.memory_space<vmem>>
    %dma_wait3A_100 = arith.constant 0 : i32
    %dma_wait3A_101 = arith.constant 0 : i32
    %dma_wait3A_102 = tpu.memref_slice %arg6[%dma_wait3A_100, %dma_wait3A_101] : memref<1000x64xf32, #tpu.memory_space<hbm>> -> memref<1000x64xf32, #tpu.memory_space<hbm>>
    tpu.wait_indirect_dma semaphore(%arg15 : memref<!tpu.dma_semaphore, #tpu.memory_space<semaphore_mem>>) src(%dma_wait3A_102 : memref<1000x64xf32, #tpu.memory_space<hbm>>) dst(%arg12 : memref<128x64xf32, #tpu.memory_space<vmem>>)
    %dma_wait3A_103 = arith.constant 1 : i32
    %dma_wait3A_104 = arith.constant 0 : i32
    %dma_wait3A_105 = tpu.memref_slice %arg10[%dma_wait3A_103, %dma_wait3A_104] : memref<4x128xi32, #tpu.memory_space<vmem>> -> memref<1x128xi32, #tpu.memory_space<vmem>>
    %dma_wait3A_106 = tpu.memref_squeeze %dma_wait3A_105 : memref<1x128xi32, #tpu.memory_space<vmem>> -> memref<128xi32, #tpu.memory_space<vmem>>
    %dma_wait3A_107 = arith.constant 0 : i32
    %dma_wait3A_108 = arith.constant 0 : i32
    %dma_wait3A_109 = tpu.memref_slice %arg5[%dma_wait3A_107, %dma_wait3A_108] : memref<1000000x64xf32, #tpu.memory_space<hbm>> -> memref<1000000x64xf32, #tpu.memory_space<hbm>>
    tpu.wait_indirect_dma semaphore(%arg15 : memref<!tpu.dma_semaphore, #tpu.memory_space<semaphore_mem>>) src(%dma_wait3A_109 : memref<1000000x64xf32, #tpu.memory_space<hbm>>) dst(%arg13 : memref<128x64xf32, #tpu.memory_space<vmem>>)
    %scan3A_110 = arith.constant 0 : i32
    %scan3A_111 = arith.constant 0 : i32
    %scan3A_112 = arith.constant 8 : i32
    %scan3A_113 = arith.addi %scan3A_111, %scan3A_112 : i32
    %scan3A_114 = arith.constant 1 : i32
    %scan3A_115 = scf.for %scan3A_215 = %scan3A_111 to %scan3A_113 step %scan3A_114 iter_args(%scan3A_216 = %scan3A_110) -> (i32)  : i32 {
      %mul3A_217 = arith.constant 16 : i32
      %mul3A_218 = arith.muli %scan3A_215, %mul3A_217 : i32
      %add3A_219 = vector.broadcast %mul3A_218 : i32 to vector<16xi32>
      %add3A_220 = arith.addi %iota3A, %add3A_219 : vector<16xi32>
      %broadcast_in_dim3A = arith.constant 0.000000e+00 : f32
      %broadcast_in_dim3A_221 = vector.broadcast %broadcast_in_dim3A : f32 to vector<16xf32>
      %scan3A_222 = arith.constant 0 : i32
      %scan3A_223 = arith.constant 64 : i32
      %scan3A_224 = arith.addi %scan3A_222, %scan3A_223 : i32
      %scan3A_225 = arith.constant 1 : i32
      %scan3A_226:6 = scf.for %scan3A_348 = %scan3A_222 to %scan3A_224 step %scan3A_225 iter_args(%scan3A_349 = %broadcast_in_dim3A_221, %scan3A_350 = %broadcast_in_dim3A_221, %scan3A_351 = %broadcast_in_dim3A_221, %scan3A_352 = %broadcast_in_dim3A_221, %scan3A_353 = %broadcast_in_dim3A_221, %scan3A_354 = %broadcast_in_dim3A_221) -> (vector<16xf32>, vector<16xf32>, vector<16xf32>, vector<16xf32>, vector<16xf32>, vector<16xf32>)  : i32 {
        %broadcast_in_dim3A_355 = vector.broadcast %scan3A_348 : i32 to vector<16xi32>
        %gather3A = tpu.vector_load_idx %arg11[%add3A_220, %broadcast_in_dim3A_355] : memref<128x64xf32, #tpu.memory_space<vmem>>[vector<16xi32>, vector<16xi32>], vector<16xf32>,
        %gather3A_356 = tpu.vector_load_idx %arg12[%add3A_220, %broadcast_in_dim3A_355] : memref<128x64xf32, #tpu.memory_space<vmem>>[vector<16xi32>, vector<16xi32>], vector<16xf32>,
        %gather3A_357 = tpu.vector_load_idx %arg13[%add3A_220, %broadcast_in_dim3A_355] : memref<128x64xf32, #tpu.memory_space<vmem>>[vector<16xi32>, vector<16xi32>], vector<16xf32>,
        %mul3A_358 = arith.mulf %gather3A, %gather3A : vector<16xf32>
        %add3A_359 = arith.addf %scan3A_349, %mul3A_358 : vector<16xf32>
        %mul3A_360 = arith.mulf %gather3A_357, %gather3A_357 : vector<16xf32>
        %add3A_361 = arith.addf %scan3A_350, %mul3A_360 : vector<16xf32>
        %mul3A_362 = arith.mulf %gather3A_356, %gather3A_356 : vector<16xf32>
        %add3A_363 = arith.addf %scan3A_351, %mul3A_362 : vector<16xf32>
        %mul3A_364 = arith.mulf %gather3A, %gather3A_356 : vector<16xf32>
        %add3A_365 = arith.addf %scan3A_352, %mul3A_364 : vector<16xf32>
        %mul3A_366 = arith.mulf %gather3A, %gather3A_357 : vector<16xf32>
        %add3A_367 = arith.addf %scan3A_353, %mul3A_366 : vector<16xf32>
        %mul3A_368 = arith.mulf %gather3A_356, %gather3A_357 : vector<16xf32>
        %add3A_369 = arith.addf %scan3A_354, %mul3A_368 : vector<16xf32>
        scf.yield %add3A_359, %add3A_361, %add3A_363, %add3A_365, %add3A_367, %add3A_369 : vector<16xf32>, vector<16xf32>, vector<16xf32>, vector<16xf32>, vector<16xf32>, vector<16xf32>
      }
      %scan3A_227 = arith.constant 64 : i32
      %max3A = arith.constant 1.000000e-24 : f32
      %max3A_228 = vector.broadcast %max3A : f32 to vector<16xf32>
      %max3A_229 = arith.maximumf %scan3A_226#0, %max3A_228 : vector<16xf32>
      %bitcast3A = vector.bitcast %max3A_229 : vector<16xf32> to vector<16xi32>
      %shift_right_arithmetic3A = arith.constant 1 : i32
      %shift_right_arithmetic3A_230 = vector.broadcast %shift_right_arithmetic3A : i32 to vector<16xi32>
      %shift_right_arithmetic3A_231 = arith.shrsi %bitcast3A, %shift_right_arithmetic3A_230 : vector<16xi32>
      %sub3A = arith.constant 1597463007 : i32
      %sub3A_232 = vector.broadcast %sub3A : i32 to vector<16xi32>
      %sub3A_233 = arith.subi %sub3A_232, %shift_right_arithmetic3A_231 : vector<16xi32>
      %bitcast3A_234 = vector.bitcast %sub3A_233 : vector<16xi32> to vector<16xf32>
      %mul3A_235 = arith.constant 5.000000e-01 : f32
      %mul3A_236 = vector.broadcast %mul3A_235 : f32 to vector<16xf32>
      %mul3A_237 = arith.mulf %mul3A_236, %max3A_229 : vector<16xf32>
      %mul3A_238 = arith.mulf %mul3A_237, %bitcast3A_234 : vector<16xf32>
      %mul3A_239 = arith.mulf %mul3A_238, %bitcast3A_234 : vector<16xf32>
      %sub3A_240 = arith.constant 1.500000e+00 : f32
      %sub3A_241 = vector.broadcast %sub3A_240 : f32 to vector<16xf32>
      %sub3A_242 = arith.subf %sub3A_241, %mul3A_239 : vector<16xf32>
      %mul3A_243 = arith.mulf %bitcast3A_234, %sub3A_242 : vector<16xf32>
      %mul3A_244 = arith.mulf %mul3A_237, %mul3A_243 : vector<16xf32>
      %mul3A_245 = arith.mulf %mul3A_244, %mul3A_243 : vector<16xf32>
      %sub3A_246 = arith.constant 1.500000e+00 : f32
      %sub3A_247 = vector.broadcast %sub3A_246 : f32 to vector<16xf32>
      %sub3A_248 = arith.subf %sub3A_247, %mul3A_245 : vector<16xf32>
      %mul3A_249 = arith.mulf %mul3A_243, %sub3A_248 : vector<16xf32>
      %mul3A_250 = arith.mulf %mul3A_237, %mul3A_249 : vector<16xf32>
      %mul3A_251 = arith.mulf %mul3A_250, %mul3A_249 : vector<16xf32>
      %sub3A_252 = arith.constant 1.500000e+00 : f32
      %sub3A_253 = vector.broadcast %sub3A_252 : f32 to vector<16xf32>
      %sub3A_254 = arith.subf %sub3A_253, %mul3A_251 : vector<16xf32>
      %mul3A_255 = arith.mulf %mul3A_249, %sub3A_254 : vector<16xf32>
      %max3A_256 = arith.constant 1.000000e-24 : f32
      %max3A_257 = vector.broadcast %max3A_256 : f32 to vector<16xf32>
      %max3A_258 = arith.maximumf %scan3A_226#1, %max3A_257 : vector<16xf32>
      %bitcast3A_259 = vector.bitcast %max3A_258 : vector<16xf32> to vector<16xi32>
      %shift_right_arithmetic3A_260 = arith.constant 1 : i32
      %shift_right_arithmetic3A_261 = vector.broadcast %shift_right_arithmetic3A_260 : i32 to vector<16xi32>
      %shift_right_arithmetic3A_262 = arith.shrsi %bitcast3A_259, %shift_right_arithmetic3A_261 : vector<16xi32>
      %sub3A_263 = arith.constant 1597463007 : i32
      %sub3A_264 = vector.broadcast %sub3A_263 : i32 to vector<16xi32>
      %sub3A_265 = arith.subi %sub3A_264, %shift_right_arithmetic3A_262 : vector<16xi32>
      %bitcast3A_266 = vector.bitcast %sub3A_265 : vector<16xi32> to vector<16xf32>
      %mul3A_267 = arith.constant 5.000000e-01 : f32
      %mul3A_268 = vector.broadcast %mul3A_267 : f32 to vector<16xf32>
      %mul3A_269 = arith.mulf %mul3A_268, %max3A_258 : vector<16xf32>
      %mul3A_270 = arith.mulf %mul3A_269, %bitcast3A_266 : vector<16xf32>
      %mul3A_271 = arith.mulf %mul3A_270, %bitcast3A_266 : vector<16xf32>
      %sub3A_272 = arith.constant 1.500000e+00 : f32
      %sub3A_273 = vector.broadcast %sub3A_272 : f32 to vector<16xf32>
      %sub3A_274 = arith.subf %sub3A_273, %mul3A_271 : vector<16xf32>
      %mul3A_275 = arith.mulf %bitcast3A_266, %sub3A_274 : vector<16xf32>
      %mul3A_276 = arith.mulf %mul3A_269, %mul3A_275 : vector<16xf32>
      %mul3A_277 = arith.mulf %mul3A_276, %mul3A_275 : vector<16xf32>
      %sub3A_278 = arith.constant 1.500000e+00 : f32
      %sub3A_279 = vector.broadcast %sub3A_278 : f32 to vector<16xf32>
      %sub3A_280 = arith.subf %sub3A_279, %mul3A_277 : vector<16xf32>
      %mul3A_281 = arith.mulf %mul3A_275, %sub3A_280 : vector<16xf32>
      %mul3A_282 = arith.mulf %mul3A_269, %mul3A_281 : vector<16xf32>
      %mul3A_283 = arith.mulf %mul3A_282, %mul3A_281 : vector<16xf32>
      %sub3A_284 = arith.constant 1.500000e+00 : f32
      %sub3A_285 = vector.broadcast %sub3A_284 : f32 to vector<16xf32>
      %sub3A_286 = arith.subf %sub3A_285, %mul3A_283 : vector<16xf32>
      %mul3A_287 = arith.mulf %mul3A_281, %sub3A_286 : vector<16xf32>
      %mul3A_288 = arith.mulf %scan3A_226#0, %mul3A_255 : vector<16xf32>
      %mul3A_289 = arith.mulf %mul3A_288, %mul3A_255 : vector<16xf32>
      %mul3A_290 = arith.mulf %scan3A_226#1, %mul3A_287 : vector<16xf32>
      %mul3A_291 = arith.mulf %mul3A_290, %mul3A_287 : vector<16xf32>
      %add3A_292 = arith.addf %mul3A_289, %mul3A_291 : vector<16xf32>
      %add3A_293 = arith.addf %add3A_292, %scan3A_226#2 : vector<16xf32>
      %mul3A_294 = arith.mulf %scan3A_226#3, %mul3A_255 : vector<16xf32>
      %mul3A_295 = arith.mulf %scan3A_226#4, %mul3A_255 : vector<16xf32>
      %mul3A_296 = arith.mulf %mul3A_295, %mul3A_287 : vector<16xf32>
      %sub3A_297 = arith.subf %mul3A_294, %mul3A_296 : vector<16xf32>
      %mul3A_298 = arith.mulf %scan3A_226#5, %mul3A_287 : vector<16xf32>
      %sub3A_299 = arith.subf %sub3A_297, %mul3A_298 : vector<16xf32>
      %mul3A_300 = arith.constant 2.000000e+00 : f32
      %mul3A_301 = vector.broadcast %mul3A_300 : f32 to vector<16xf32>
      %mul3A_302 = arith.mulf %mul3A_301, %sub3A_299 : vector<16xf32>
      %add3A_303 = arith.addf %add3A_293, %mul3A_302 : vector<16xf32>
      %max3A_304 = arith.constant 0.000000e+00 : f32
      %max3A_305 = vector.broadcast %max3A_304 : f32 to vector<16xf32>
      %max3A_306 = arith.maximumf %add3A_303, %max3A_305 : vector<16xf32>
      %max3A_307 = arith.constant 1.000000e-24 : f32
      %max3A_308 = vector.broadcast %max3A_307 : f32 to vector<16xf32>
      %max3A_309 = arith.maximumf %max3A_306, %max3A_308 : vector<16xf32>
      %bitcast3A_310 = vector.bitcast %max3A_309 : vector<16xf32> to vector<16xi32>
      %shift_right_arithmetic3A_311 = arith.constant 1 : i32
      %shift_right_arithmetic3A_312 = vector.broadcast %shift_right_arithmetic3A_311 : i32 to vector<16xi32>
      %shift_right_arithmetic3A_313 = arith.shrsi %bitcast3A_310, %shift_right_arithmetic3A_312 : vector<16xi32>
      %sub3A_314 = arith.constant 1597463007 : i32
      %sub3A_315 = vector.broadcast %sub3A_314 : i32 to vector<16xi32>
      %sub3A_316 = arith.subi %sub3A_315, %shift_right_arithmetic3A_313 : vector<16xi32>
      %bitcast3A_317 = vector.bitcast %sub3A_316 : vector<16xi32> to vector<16xf32>
      %mul3A_318 = arith.constant 5.000000e-01 : f32
      %mul3A_319 = vector.broadcast %mul3A_318 : f32 to vector<16xf32>
      %mul3A_320 = arith.mulf %mul3A_319, %max3A_309 : vector<16xf32>
      %mul3A_321 = arith.mulf %mul3A_320, %bitcast3A_317 : vector<16xf32>
      %mul3A_322 = arith.mulf %mul3A_321, %bitcast3A_317 : vector<16xf32>
      %sub3A_323 = arith.constant 1.500000e+00 : f32
      %sub3A_324 = vector.broadcast %sub3A_323 : f32 to vector<16xf32>
      %sub3A_325 = arith.subf %sub3A_324, %mul3A_322 : vector<16xf32>
      %mul3A_326 = arith.mulf %bitcast3A_317, %sub3A_325 : vector<16xf32>
      %mul3A_327 = arith.mulf %mul3A_320, %mul3A_326 : vector<16xf32>
      %mul3A_328 = arith.mulf %mul3A_327, %mul3A_326 : vector<16xf32>
      %sub3A_329 = arith.constant 1.500000e+00 : f32
      %sub3A_330 = vector.broadcast %sub3A_329 : f32 to vector<16xf32>
      %sub3A_331 = arith.subf %sub3A_330, %mul3A_328 : vector<16xf32>
      %mul3A_332 = arith.mulf %mul3A_326, %sub3A_331 : vector<16xf32>
      %mul3A_333 = arith.mulf %mul3A_320, %mul3A_332 : vector<16xf32>
      %mul3A_334 = arith.mulf %mul3A_333, %mul3A_332 : vector<16xf32>
      %sub3A_335 = arith.constant 1.500000e+00 : f32
      %sub3A_336 = vector.broadcast %sub3A_335 : f32 to vector<16xf32>
      %sub3A_337 = arith.subf %sub3A_336, %mul3A_334 : vector<16xf32>
      %mul3A_338 = arith.mulf %mul3A_332, %sub3A_337 : vector<16xf32>
      %mul3A_339 = arith.mulf %max3A_306, %mul3A_338 : vector<16xf32>
      %neg3A = arith.constant 0.000000e+00 : f32
      %neg3A_340 = vector.broadcast %neg3A : f32 to vector<16xf32>
      %neg3A_341 = arith.subf %neg3A_340, %mul3A_339 : vector<16xf32>
      %mul3A_342 = arith.constant 16 : i32
      %mul3A_343 = arith.muli %scan3A_215, %mul3A_342 : i32
      %add3A_344 = arith.constant 128 : i32
      %add3A_345 = arith.addi %add3A_344, %mul3A_343 : i32
      %swap3A = arith.index_cast %add3A_345 : i32 to index
      %swap3A_346 = tpu.vector_load %arg14[%swap3A] {strides = array<i32>} : memref<512xf32, #tpu.memory_space<vmem>>, vector<16xf32>,
      tpu.vector_store %arg14[%swap3A], %neg3A_341 {strides = array<i32>} : memref<512xf32, #tpu.memory_space<vmem>>, vector<16xf32>,
      %scan3A_347 = arith.constant 0 : i32
      scf.yield %scan3A_347 : i32
    }
    %scan3A_116 = arith.constant 8 : i32
    %dma_start3A_117 = arith.constant 2 : i32
    %dma_start3A_118 = arith.constant 0 : i32
    %dma_start3A_119 = tpu.memref_slice %arg8[%dma_start3A_117, %dma_start3A_118] : memref<4x128xi32, #tpu.memory_space<vmem>> -> memref<1x128xi32, #tpu.memory_space<vmem>>
    %dma_start3A_120 = tpu.memref_squeeze %dma_start3A_119 : memref<1x128xi32, #tpu.memory_space<vmem>> -> memref<128xi32, #tpu.memory_space<vmem>>
    %dma_start3A_121 = arith.constant 0 : i32
    %dma_start3A_122 = arith.constant 0 : i32
    %dma_start3A_123 = tpu.memref_slice %arg5[%dma_start3A_121, %dma_start3A_122] : memref<1000000x64xf32, #tpu.memory_space<hbm>> -> memref<1000000x64xf32, #tpu.memory_space<hbm>>
    tpu.enqueue_indirect_dma source(%dma_start3A_123 : memref<1000000x64xf32, #tpu.memory_space<hbm>>) target(%arg11 : memref<128x64xf32, #tpu.memory_space<vmem>>) offsets(%dma_start3A_120 : memref<128xi32, #tpu.memory_space<vmem>>) semaphore(%arg15 : memref<!tpu.dma_semaphore, #tpu.memory_space<semaphore_mem>>)
    %dma_start3A_124 = arith.constant 2 : i32
    %dma_start3A_125 = arith.constant 0 : i32
    %dma_start3A_126 = tpu.memref_slice %arg9[%dma_start3A_124, %dma_start3A_125] : memref<4x128xi32, #tpu.memory_space<vmem>> -> memref<1x128xi32, #tpu.memory_space<vmem>>
    %dma_start3A_127 = tpu.memref_squeeze %dma_start3A_126 : memref<1x128xi32, #tpu.memory_space<vmem>> -> memref<128xi32, #tpu.memory_space<vmem>>
    %dma_start3A_128 = arith.constant 0 : i32
    %dma_start3A_129 = arith.constant 0 : i32
    %dma_start3A_130 = tpu.memref_slice %arg6[%dma_start3A_128, %dma_start3A_129] : memref<1000x64xf32, #tpu.memory_space<hbm>> -> memref<1000x64xf32, #tpu.memory_space<hbm>>
    tpu.enqueue_indirect_dma source(%dma_start3A_130 : memref<1000x64xf32, #tpu.memory_space<hbm>>) target(%arg12 : memref<128x64xf32, #tpu.memory_space<vmem>>) offsets(%dma_start3A_127 : memref<128xi32, #tpu.memory_space<vmem>>) semaphore(%arg15 : memref<!tpu.dma_semaphore, #tpu.memory_space<semaphore_mem>>)
    %dma_start3A_131 = arith.constant 2 : i32
    %dma_start3A_132 = arith.constant 0 : i32
    %dma_start3A_133 = tpu.memref_slice %arg10[%dma_start3A_131, %dma_start3A_132] : memref<4x128xi32, #tpu.memory_space<vmem>> -> memref<1x128xi32, #tpu.memory_space<vmem>>
    %dma_start3A_134 = tpu.memref_squeeze %dma_start3A_133 : memref<1x128xi32, #tpu.memory_space<vmem>> -> memref<128xi32, #tpu.memory_space<vmem>>
    %dma_start3A_135 = arith.constant 0 : i32
    %dma_start3A_136 = arith.constant 0 : i32
    %dma_start3A_137 = tpu.memref_slice %arg5[%dma_start3A_135, %dma_start3A_136] : memref<1000000x64xf32, #tpu.memory_space<hbm>> -> memref<1000000x64xf32, #tpu.memory_space<hbm>>
    tpu.enqueue_indirect_dma source(%dma_start3A_137 : memref<1000000x64xf32, #tpu.memory_space<hbm>>) target(%arg13 : memref<128x64xf32, #tpu.memory_space<vmem>>) offsets(%dma_start3A_134 : memref<128xi32, #tpu.memory_space<vmem>>) semaphore(%arg15 : memref<!tpu.dma_semaphore, #tpu.memory_space<semaphore_mem>>)
    %dma_wait3A_138 = arith.constant 2 : i32
    %dma_wait3A_139 = arith.constant 0 : i32
    %dma_wait3A_140 = tpu.memref_slice %arg8[%dma_wait3A_138, %dma_wait3A_139] : memref<4x128xi32, #tpu.memory_space<vmem>> -> memref<1x128xi32, #tpu.memory_space<vmem>>
    %dma_wait3A_141 = tpu.memref_squeeze %dma_wait3A_140 : memref<1x128xi32, #tpu.memory_space<vmem>> -> memref<128xi32, #tpu.memory_space<vmem>>
    %dma_wait3A_142 = arith.constant 0 : i32
    %dma_wait3A_143 = arith.constant 0 : i32
    %dma_wait3A_144 = tpu.memref_slice %arg5[%dma_wait3A_142, %dma_wait3A_143] : memref<1000000x64xf32, #tpu.memory_space<hbm>> -> memref<1000000x64xf32, #tpu.memory_space<hbm>>
    tpu.wait_indirect_dma semaphore(%arg15 : memref<!tpu.dma_semaphore, #tpu.memory_space<semaphore_mem>>) src(%dma_wait3A_144 : memref<1000000x64xf32, #tpu.memory_space<hbm>>) dst(%arg11 : memref<128x64xf32, #tpu.memory_space<vmem>>)
    %dma_wait3A_145 = arith.constant 2 : i32
    %dma_wait3A_146 = arith.constant 0 : i32
    %dma_wait3A_147 = tpu.memref_slice %arg9[%dma_wait3A_145, %dma_wait3A_146] : memref<4x128xi32, #tpu.memory_space<vmem>> -> memref<1x128xi32, #tpu.memory_space<vmem>>
    %dma_wait3A_148 = tpu.memref_squeeze %dma_wait3A_147 : memref<1x128xi32, #tpu.memory_space<vmem>> -> memref<128xi32, #tpu.memory_space<vmem>>
    %dma_wait3A_149 = arith.constant 0 : i32
    %dma_wait3A_150 = arith.constant 0 : i32
    %dma_wait3A_151 = tpu.memref_slice %arg6[%dma_wait3A_149, %dma_wait3A_150] : memref<1000x64xf32, #tpu.memory_space<hbm>> -> memref<1000x64xf32, #tpu.memory_space<hbm>>
    tpu.wait_indirect_dma semaphore(%arg15 : memref<!tpu.dma_semaphore, #tpu.memory_space<semaphore_mem>>) src(%dma_wait3A_151 : memref<1000x64xf32, #tpu.memory_space<hbm>>) dst(%arg12 : memref<128x64xf32, #tpu.memory_space<vmem>>)
    %dma_wait3A_152 = arith.constant 2 : i32
    %dma_wait3A_153 = arith.constant 0 : i32
    %dma_wait3A_154 = tpu.memref_slice %arg10[%dma_wait3A_152, %dma_wait3A_153] : memref<4x128xi32, #tpu.memory_space<vmem>> -> memref<1x128xi32, #tpu.memory_space<vmem>>
    %dma_wait3A_155 = tpu.memref_squeeze %dma_wait3A_154 : memref<1x128xi32, #tpu.memory_space<vmem>> -> memref<128xi32, #tpu.memory_space<vmem>>
    %dma_wait3A_156 = arith.constant 0 : i32
    %dma_wait3A_157 = arith.constant 0 : i32
    %dma_wait3A_158 = tpu.memref_slice %arg5[%dma_wait3A_156, %dma_wait3A_157] : memref<1000000x64xf32, #tpu.memory_space<hbm>> -> memref<1000000x64xf32, #tpu.memory_space<hbm>>
    tpu.wait_indirect_dma semaphore(%arg15 : memref<!tpu.dma_semaphore, #tpu.memory_space<semaphore_mem>>) src(%dma_wait3A_158 : memref<1000000x64xf32, #tpu.memory_space<hbm>>) dst(%arg13 : memref<128x64xf32, #tpu.memory_space<vmem>>)
    %scan3A_159 = arith.constant 0 : i32
    %scan3A_160 = arith.constant 0 : i32
    %scan3A_161 = arith.constant 8 : i32
    %scan3A_162 = arith.addi %scan3A_160, %scan3A_161 : i32
    %scan3A_163 = arith.constant 1 : i32
    %scan3A_164 = scf.for %scan3A_215 = %scan3A_160 to %scan3A_162 step %scan3A_163 iter_args(%scan3A_216 = %scan3A_159) -> (i32)  : i32 {
      %mul3A_217 = arith.constant 16 : i32
      %mul3A_218 = arith.muli %scan3A_215, %mul3A_217 : i32
      %add3A_219 = vector.broadcast %mul3A_218 : i32 to vector<16xi32>
      %add3A_220 = arith.addi %iota3A, %add3A_219 : vector<16xi32>
      %broadcast_in_dim3A = arith.constant 0.000000e+00 : f32
      %broadcast_in_dim3A_221 = vector.broadcast %broadcast_in_dim3A : f32 to vector<16xf32>
      %scan3A_222 = arith.constant 0 : i32
      %scan3A_223 = arith.constant 64 : i32
      %scan3A_224 = arith.addi %scan3A_222, %scan3A_223 : i32
      %scan3A_225 = arith.constant 1 : i32
      %scan3A_226:6 = scf.for %scan3A_348 = %scan3A_222 to %scan3A_224 step %scan3A_225 iter_args(%scan3A_349 = %broadcast_in_dim3A_221, %scan3A_350 = %broadcast_in_dim3A_221, %scan3A_351 = %broadcast_in_dim3A_221, %scan3A_352 = %broadcast_in_dim3A_221, %scan3A_353 = %broadcast_in_dim3A_221, %scan3A_354 = %broadcast_in_dim3A_221) -> (vector<16xf32>, vector<16xf32>, vector<16xf32>, vector<16xf32>, vector<16xf32>, vector<16xf32>)  : i32 {
        %broadcast_in_dim3A_355 = vector.broadcast %scan3A_348 : i32 to vector<16xi32>
        %gather3A = tpu.vector_load_idx %arg11[%add3A_220, %broadcast_in_dim3A_355] : memref<128x64xf32, #tpu.memory_space<vmem>>[vector<16xi32>, vector<16xi32>], vector<16xf32>,
        %gather3A_356 = tpu.vector_load_idx %arg12[%add3A_220, %broadcast_in_dim3A_355] : memref<128x64xf32, #tpu.memory_space<vmem>>[vector<16xi32>, vector<16xi32>], vector<16xf32>,
        %gather3A_357 = tpu.vector_load_idx %arg13[%add3A_220, %broadcast_in_dim3A_355] : memref<128x64xf32, #tpu.memory_space<vmem>>[vector<16xi32>, vector<16xi32>], vector<16xf32>,
        %mul3A_358 = arith.mulf %gather3A, %gather3A : vector<16xf32>
        %add3A_359 = arith.addf %scan3A_349, %mul3A_358 : vector<16xf32>
        %mul3A_360 = arith.mulf %gather3A_357, %gather3A_357 : vector<16xf32>
        %add3A_361 = arith.addf %scan3A_350, %mul3A_360 : vector<16xf32>
        %mul3A_362 = arith.mulf %gather3A_356, %gather3A_356 : vector<16xf32>
        %add3A_363 = arith.addf %scan3A_351, %mul3A_362 : vector<16xf32>
        %mul3A_364 = arith.mulf %gather3A, %gather3A_356 : vector<16xf32>
        %add3A_365 = arith.addf %scan3A_352, %mul3A_364 : vector<16xf32>
        %mul3A_366 = arith.mulf %gather3A, %gather3A_357 : vector<16xf32>
        %add3A_367 = arith.addf %scan3A_353, %mul3A_366 : vector<16xf32>
        %mul3A_368 = arith.mulf %gather3A_356, %gather3A_357 : vector<16xf32>
        %add3A_369 = arith.addf %scan3A_354, %mul3A_368 : vector<16xf32>
        scf.yield %add3A_359, %add3A_361, %add3A_363, %add3A_365, %add3A_367, %add3A_369 : vector<16xf32>, vector<16xf32>, vector<16xf32>, vector<16xf32>, vector<16xf32>, vector<16xf32>
      }
      %scan3A_227 = arith.constant 64 : i32
      %max3A = arith.constant 1.000000e-24 : f32
      %max3A_228 = vector.broadcast %max3A : f32 to vector<16xf32>
      %max3A_229 = arith.maximumf %scan3A_226#0, %max3A_228 : vector<16xf32>
      %bitcast3A = vector.bitcast %max3A_229 : vector<16xf32> to vector<16xi32>
      %shift_right_arithmetic3A = arith.constant 1 : i32
      %shift_right_arithmetic3A_230 = vector.broadcast %shift_right_arithmetic3A : i32 to vector<16xi32>
      %shift_right_arithmetic3A_231 = arith.shrsi %bitcast3A, %shift_right_arithmetic3A_230 : vector<16xi32>
      %sub3A = arith.constant 1597463007 : i32
      %sub3A_232 = vector.broadcast %sub3A : i32 to vector<16xi32>
      %sub3A_233 = arith.subi %sub3A_232, %shift_right_arithmetic3A_231 : vector<16xi32>
      %bitcast3A_234 = vector.bitcast %sub3A_233 : vector<16xi32> to vector<16xf32>
      %mul3A_235 = arith.constant 5.000000e-01 : f32
      %mul3A_236 = vector.broadcast %mul3A_235 : f32 to vector<16xf32>
      %mul3A_237 = arith.mulf %mul3A_236, %max3A_229 : vector<16xf32>
      %mul3A_238 = arith.mulf %mul3A_237, %bitcast3A_234 : vector<16xf32>
      %mul3A_239 = arith.mulf %mul3A_238, %bitcast3A_234 : vector<16xf32>
      %sub3A_240 = arith.constant 1.500000e+00 : f32
      %sub3A_241 = vector.broadcast %sub3A_240 : f32 to vector<16xf32>
      %sub3A_242 = arith.subf %sub3A_241, %mul3A_239 : vector<16xf32>
      %mul3A_243 = arith.mulf %bitcast3A_234, %sub3A_242 : vector<16xf32>
      %mul3A_244 = arith.mulf %mul3A_237, %mul3A_243 : vector<16xf32>
      %mul3A_245 = arith.mulf %mul3A_244, %mul3A_243 : vector<16xf32>
      %sub3A_246 = arith.constant 1.500000e+00 : f32
      %sub3A_247 = vector.broadcast %sub3A_246 : f32 to vector<16xf32>
      %sub3A_248 = arith.subf %sub3A_247, %mul3A_245 : vector<16xf32>
      %mul3A_249 = arith.mulf %mul3A_243, %sub3A_248 : vector<16xf32>
      %mul3A_250 = arith.mulf %mul3A_237, %mul3A_249 : vector<16xf32>
      %mul3A_251 = arith.mulf %mul3A_250, %mul3A_249 : vector<16xf32>
      %sub3A_252 = arith.constant 1.500000e+00 : f32
      %sub3A_253 = vector.broadcast %sub3A_252 : f32 to vector<16xf32>
      %sub3A_254 = arith.subf %sub3A_253, %mul3A_251 : vector<16xf32>
      %mul3A_255 = arith.mulf %mul3A_249, %sub3A_254 : vector<16xf32>
      %max3A_256 = arith.constant 1.000000e-24 : f32
      %max3A_257 = vector.broadcast %max3A_256 : f32 to vector<16xf32>
      %max3A_258 = arith.maximumf %scan3A_226#1, %max3A_257 : vector<16xf32>
      %bitcast3A_259 = vector.bitcast %max3A_258 : vector<16xf32> to vector<16xi32>
      %shift_right_arithmetic3A_260 = arith.constant 1 : i32
      %shift_right_arithmetic3A_261 = vector.broadcast %shift_right_arithmetic3A_260 : i32 to vector<16xi32>
      %shift_right_arithmetic3A_262 = arith.shrsi %bitcast3A_259, %shift_right_arithmetic3A_261 : vector<16xi32>
      %sub3A_263 = arith.constant 1597463007 : i32
      %sub3A_264 = vector.broadcast %sub3A_263 : i32 to vector<16xi32>
      %sub3A_265 = arith.subi %sub3A_264, %shift_right_arithmetic3A_262 : vector<16xi32>
      %bitcast3A_266 = vector.bitcast %sub3A_265 : vector<16xi32> to vector<16xf32>
      %mul3A_267 = arith.constant 5.000000e-01 : f32
      %mul3A_268 = vector.broadcast %mul3A_267 : f32 to vector<16xf32>
      %mul3A_269 = arith.mulf %mul3A_268, %max3A_258 : vector<16xf32>
      %mul3A_270 = arith.mulf %mul3A_269, %bitcast3A_266 : vector<16xf32>
      %mul3A_271 = arith.mulf %mul3A_270, %bitcast3A_266 : vector<16xf32>
      %sub3A_272 = arith.constant 1.500000e+00 : f32
      %sub3A_273 = vector.broadcast %sub3A_272 : f32 to vector<16xf32>
      %sub3A_274 = arith.subf %sub3A_273, %mul3A_271 : vector<16xf32>
      %mul3A_275 = arith.mulf %bitcast3A_266, %sub3A_274 : vector<16xf32>
      %mul3A_276 = arith.mulf %mul3A_269, %mul3A_275 : vector<16xf32>
      %mul3A_277 = arith.mulf %mul3A_276, %mul3A_275 : vector<16xf32>
      %sub3A_278 = arith.constant 1.500000e+00 : f32
      %sub3A_279 = vector.broadcast %sub3A_278 : f32 to vector<16xf32>
      %sub3A_280 = arith.subf %sub3A_279, %mul3A_277 : vector<16xf32>
      %mul3A_281 = arith.mulf %mul3A_275, %sub3A_280 : vector<16xf32>
      %mul3A_282 = arith.mulf %mul3A_269, %mul3A_281 : vector<16xf32>
      %mul3A_283 = arith.mulf %mul3A_282, %mul3A_281 : vector<16xf32>
      %sub3A_284 = arith.constant 1.500000e+00 : f32
      %sub3A_285 = vector.broadcast %sub3A_284 : f32 to vector<16xf32>
      %sub3A_286 = arith.subf %sub3A_285, %mul3A_283 : vector<16xf32>
      %mul3A_287 = arith.mulf %mul3A_281, %sub3A_286 : vector<16xf32>
      %mul3A_288 = arith.mulf %scan3A_226#0, %mul3A_255 : vector<16xf32>
      %mul3A_289 = arith.mulf %mul3A_288, %mul3A_255 : vector<16xf32>
      %mul3A_290 = arith.mulf %scan3A_226#1, %mul3A_287 : vector<16xf32>
      %mul3A_291 = arith.mulf %mul3A_290, %mul3A_287 : vector<16xf32>
      %add3A_292 = arith.addf %mul3A_289, %mul3A_291 : vector<16xf32>
      %add3A_293 = arith.addf %add3A_292, %scan3A_226#2 : vector<16xf32>
      %mul3A_294 = arith.mulf %scan3A_226#3, %mul3A_255 : vector<16xf32>
      %mul3A_295 = arith.mulf %scan3A_226#4, %mul3A_255 : vector<16xf32>
      %mul3A_296 = arith.mulf %mul3A_295, %mul3A_287 : vector<16xf32>
      %sub3A_297 = arith.subf %mul3A_294, %mul3A_296 : vector<16xf32>
      %mul3A_298 = arith.mulf %scan3A_226#5, %mul3A_287 : vector<16xf32>
      %sub3A_299 = arith.subf %sub3A_297, %mul3A_298 : vector<16xf32>
      %mul3A_300 = arith.constant 2.000000e+00 : f32
      %mul3A_301 = vector.broadcast %mul3A_300 : f32 to vector<16xf32>
      %mul3A_302 = arith.mulf %mul3A_301, %sub3A_299 : vector<16xf32>
      %add3A_303 = arith.addf %add3A_293, %mul3A_302 : vector<16xf32>
      %max3A_304 = arith.constant 0.000000e+00 : f32
      %max3A_305 = vector.broadcast %max3A_304 : f32 to vector<16xf32>
      %max3A_306 = arith.maximumf %add3A_303, %max3A_305 : vector<16xf32>
      %max3A_307 = arith.constant 1.000000e-24 : f32
      %max3A_308 = vector.broadcast %max3A_307 : f32 to vector<16xf32>
      %max3A_309 = arith.maximumf %max3A_306, %max3A_308 : vector<16xf32>
      %bitcast3A_310 = vector.bitcast %max3A_309 : vector<16xf32> to vector<16xi32>
      %shift_right_arithmetic3A_311 = arith.constant 1 : i32
      %shift_right_arithmetic3A_312 = vector.broadcast %shift_right_arithmetic3A_311 : i32 to vector<16xi32>
      %shift_right_arithmetic3A_313 = arith.shrsi %bitcast3A_310, %shift_right_arithmetic3A_312 : vector<16xi32>
      %sub3A_314 = arith.constant 1597463007 : i32
      %sub3A_315 = vector.broadcast %sub3A_314 : i32 to vector<16xi32>
      %sub3A_316 = arith.subi %sub3A_315, %shift_right_arithmetic3A_313 : vector<16xi32>
      %bitcast3A_317 = vector.bitcast %sub3A_316 : vector<16xi32> to vector<16xf32>
      %mul3A_318 = arith.constant 5.000000e-01 : f32
      %mul3A_319 = vector.broadcast %mul3A_318 : f32 to vector<16xf32>
      %mul3A_320 = arith.mulf %mul3A_319, %max3A_309 : vector<16xf32>
      %mul3A_321 = arith.mulf %mul3A_320, %bitcast3A_317 : vector<16xf32>
      %mul3A_322 = arith.mulf %mul3A_321, %bitcast3A_317 : vector<16xf32>
      %sub3A_323 = arith.constant 1.500000e+00 : f32
      %sub3A_324 = vector.broadcast %sub3A_323 : f32 to vector<16xf32>
      %sub3A_325 = arith.subf %sub3A_324, %mul3A_322 : vector<16xf32>
      %mul3A_326 = arith.mulf %bitcast3A_317, %sub3A_325 : vector<16xf32>
      %mul3A_327 = arith.mulf %mul3A_320, %mul3A_326 : vector<16xf32>
      %mul3A_328 = arith.mulf %mul3A_327, %mul3A_326 : vector<16xf32>
      %sub3A_329 = arith.constant 1.500000e+00 : f32
      %sub3A_330 = vector.broadcast %sub3A_329 : f32 to vector<16xf32>
      %sub3A_331 = arith.subf %sub3A_330, %mul3A_328 : vector<16xf32>
      %mul3A_332 = arith.mulf %mul3A_326, %sub3A_331 : vector<16xf32>
      %mul3A_333 = arith.mulf %mul3A_320, %mul3A_332 : vector<16xf32>
      %mul3A_334 = arith.mulf %mul3A_333, %mul3A_332 : vector<16xf32>
      %sub3A_335 = arith.constant 1.500000e+00 : f32
      %sub3A_336 = vector.broadcast %sub3A_335 : f32 to vector<16xf32>
      %sub3A_337 = arith.subf %sub3A_336, %mul3A_334 : vector<16xf32>
      %mul3A_338 = arith.mulf %mul3A_332, %sub3A_337 : vector<16xf32>
      %mul3A_339 = arith.mulf %max3A_306, %mul3A_338 : vector<16xf32>
      %neg3A = arith.constant 0.000000e+00 : f32
      %neg3A_340 = vector.broadcast %neg3A : f32 to vector<16xf32>
      %neg3A_341 = arith.subf %neg3A_340, %mul3A_339 : vector<16xf32>
      %mul3A_342 = arith.constant 16 : i32
      %mul3A_343 = arith.muli %scan3A_215, %mul3A_342 : i32
      %add3A_344 = arith.constant 256 : i32
      %add3A_345 = arith.addi %add3A_344, %mul3A_343 : i32
      %swap3A = arith.index_cast %add3A_345 : i32 to index
      %swap3A_346 = tpu.vector_load %arg14[%swap3A] {strides = array<i32>} : memref<512xf32, #tpu.memory_space<vmem>>, vector<16xf32>,
      tpu.vector_store %arg14[%swap3A], %neg3A_341 {strides = array<i32>} : memref<512xf32, #tpu.memory_space<vmem>>, vector<16xf32>,
      %scan3A_347 = arith.constant 0 : i32
      scf.yield %scan3A_347 : i32
    }
    %scan3A_165 = arith.constant 8 : i32
    %dma_start3A_166 = arith.constant 3 : i32
    %dma_start3A_167 = arith.constant 0 : i32
    %dma_start3A_168 = tpu.memref_slice %arg8[%dma_start3A_166, %dma_start3A_167] : memref<4x128xi32, #tpu.memory_space<vmem>> -> memref<1x128xi32, #tpu.memory_space<vmem>>
    %dma_start3A_169 = tpu.memref_squeeze %dma_start3A_168 : memref<1x128xi32, #tpu.memory_space<vmem>> -> memref<128xi32, #tpu.memory_space<vmem>>
    %dma_start3A_170 = arith.constant 0 : i32
    %dma_start3A_171 = arith.constant 0 : i32
    %dma_start3A_172 = tpu.memref_slice %arg5[%dma_start3A_170, %dma_start3A_171] : memref<1000000x64xf32, #tpu.memory_space<hbm>> -> memref<1000000x64xf32, #tpu.memory_space<hbm>>
    tpu.enqueue_indirect_dma source(%dma_start3A_172 : memref<1000000x64xf32, #tpu.memory_space<hbm>>) target(%arg11 : memref<128x64xf32, #tpu.memory_space<vmem>>) offsets(%dma_start3A_169 : memref<128xi32, #tpu.memory_space<vmem>>) semaphore(%arg15 : memref<!tpu.dma_semaphore, #tpu.memory_space<semaphore_mem>>)
    %dma_start3A_173 = arith.constant 3 : i32
    %dma_start3A_174 = arith.constant 0 : i32
    %dma_start3A_175 = tpu.memref_slice %arg9[%dma_start3A_173, %dma_start3A_174] : memref<4x128xi32, #tpu.memory_space<vmem>> -> memref<1x128xi32, #tpu.memory_space<vmem>>
    %dma_start3A_176 = tpu.memref_squeeze %dma_start3A_175 : memref<1x128xi32, #tpu.memory_space<vmem>> -> memref<128xi32, #tpu.memory_space<vmem>>
    %dma_start3A_177 = arith.constant 0 : i32
    %dma_start3A_178 = arith.constant 0 : i32
    %dma_start3A_179 = tpu.memref_slice %arg6[%dma_start3A_177, %dma_start3A_178] : memref<1000x64xf32, #tpu.memory_space<hbm>> -> memref<1000x64xf32, #tpu.memory_space<hbm>>
    tpu.enqueue_indirect_dma source(%dma_start3A_179 : memref<1000x64xf32, #tpu.memory_space<hbm>>) target(%arg12 : memref<128x64xf32, #tpu.memory_space<vmem>>) offsets(%dma_start3A_176 : memref<128xi32, #tpu.memory_space<vmem>>) semaphore(%arg15 : memref<!tpu.dma_semaphore, #tpu.memory_space<semaphore_mem>>)
    %dma_start3A_180 = arith.constant 3 : i32
    %dma_start3A_181 = arith.constant 0 : i32
    %dma_start3A_182 = tpu.memref_slice %arg10[%dma_start3A_180, %dma_start3A_181] : memref<4x128xi32, #tpu.memory_space<vmem>> -> memref<1x128xi32, #tpu.memory_space<vmem>>
    %dma_start3A_183 = tpu.memref_squeeze %dma_start3A_182 : memref<1x128xi32, #tpu.memory_space<vmem>> -> memref<128xi32, #tpu.memory_space<vmem>>
    %dma_start3A_184 = arith.constant 0 : i32
    %dma_start3A_185 = arith.constant 0 : i32
    %dma_start3A_186 = tpu.memref_slice %arg5[%dma_start3A_184, %dma_start3A_185] : memref<1000000x64xf32, #tpu.memory_space<hbm>> -> memref<1000000x64xf32, #tpu.memory_space<hbm>>
    tpu.enqueue_indirect_dma source(%dma_start3A_186 : memref<1000000x64xf32, #tpu.memory_space<hbm>>) target(%arg13 : memref<128x64xf32, #tpu.memory_space<vmem>>) offsets(%dma_start3A_183 : memref<128xi32, #tpu.memory_space<vmem>>) semaphore(%arg15 : memref<!tpu.dma_semaphore, #tpu.memory_space<semaphore_mem>>)
    %dma_wait3A_187 = arith.constant 3 : i32
    %dma_wait3A_188 = arith.constant 0 : i32
    %dma_wait3A_189 = tpu.memref_slice %arg8[%dma_wait3A_187, %dma_wait3A_188] : memref<4x128xi32, #tpu.memory_space<vmem>> -> memref<1x128xi32, #tpu.memory_space<vmem>>
    %dma_wait3A_190 = tpu.memref_squeeze %dma_wait3A_189 : memref<1x128xi32, #tpu.memory_space<vmem>> -> memref<128xi32, #tpu.memory_space<vmem>>
    %dma_wait3A_191 = arith.constant 0 : i32
    %dma_wait3A_192 = arith.constant 0 : i32
    %dma_wait3A_193 = tpu.memref_slice %arg5[%dma_wait3A_191, %dma_wait3A_192] : memref<1000000x64xf32, #tpu.memory_space<hbm>> -> memref<1000000x64xf32, #tpu.memory_space<hbm>>
    tpu.wait_indirect_dma semaphore(%arg15 : memref<!tpu.dma_semaphore, #tpu.memory_space<semaphore_mem>>) src(%dma_wait3A_193 : memref<1000000x64xf32, #tpu.memory_space<hbm>>) dst(%arg11 : memref<128x64xf32, #tpu.memory_space<vmem>>)
    %dma_wait3A_194 = arith.constant 3 : i32
    %dma_wait3A_195 = arith.constant 0 : i32
    %dma_wait3A_196 = tpu.memref_slice %arg9[%dma_wait3A_194, %dma_wait3A_195] : memref<4x128xi32, #tpu.memory_space<vmem>> -> memref<1x128xi32, #tpu.memory_space<vmem>>
    %dma_wait3A_197 = tpu.memref_squeeze %dma_wait3A_196 : memref<1x128xi32, #tpu.memory_space<vmem>> -> memref<128xi32, #tpu.memory_space<vmem>>
    %dma_wait3A_198 = arith.constant 0 : i32
    %dma_wait3A_199 = arith.constant 0 : i32
    %dma_wait3A_200 = tpu.memref_slice %arg6[%dma_wait3A_198, %dma_wait3A_199] : memref<1000x64xf32, #tpu.memory_space<hbm>> -> memref<1000x64xf32, #tpu.memory_space<hbm>>
    tpu.wait_indirect_dma semaphore(%arg15 : memref<!tpu.dma_semaphore, #tpu.memory_space<semaphore_mem>>) src(%dma_wait3A_200 : memref<1000x64xf32, #tpu.memory_space<hbm>>) dst(%arg12 : memref<128x64xf32, #tpu.memory_space<vmem>>)
    %dma_wait3A_201 = arith.constant 3 : i32
    %dma_wait3A_202 = arith.constant 0 : i32
    %dma_wait3A_203 = tpu.memref_slice %arg10[%dma_wait3A_201, %dma_wait3A_202] : memref<4x128xi32, #tpu.memory_space<vmem>> -> memref<1x128xi32, #tpu.memory_space<vmem>>
    %dma_wait3A_204 = tpu.memref_squeeze %dma_wait3A_203 : memref<1x128xi32, #tpu.memory_space<vmem>> -> memref<128xi32, #tpu.memory_space<vmem>>
    %dma_wait3A_205 = arith.constant 0 : i32
    %dma_wait3A_206 = arith.constant 0 : i32
    %dma_wait3A_207 = tpu.memref_slice %arg5[%dma_wait3A_205, %dma_wait3A_206] : memref<1000000x64xf32, #tpu.memory_space<hbm>> -> memref<1000000x64xf32, #tpu.memory_space<hbm>>
    tpu.wait_indirect_dma semaphore(%arg15 : memref<!tpu.dma_semaphore, #tpu.memory_space<semaphore_mem>>) src(%dma_wait3A_207 : memref<1000000x64xf32, #tpu.memory_space<hbm>>) dst(%arg13 : memref<128x64xf32, #tpu.memory_space<vmem>>)
    %scan3A_208 = arith.constant 0 : i32
    %scan3A_209 = arith.constant 0 : i32
    %scan3A_210 = arith.constant 8 : i32
    %scan3A_211 = arith.addi %scan3A_209, %scan3A_210 : i32
    %scan3A_212 = arith.constant 1 : i32
    %scan3A_213 = scf.for %scan3A_215 = %scan3A_209 to %scan3A_211 step %scan3A_212 iter_args(%scan3A_216 = %scan3A_208) -> (i32)  : i32 {
      %mul3A_217 = arith.constant 16 : i32
      %mul3A_218 = arith.muli %scan3A_215, %mul3A_217 : i32
      %add3A_219 = vector.broadcast %mul3A_218 : i32 to vector<16xi32>
      %add3A_220 = arith.addi %iota3A, %add3A_219 : vector<16xi32>
      %broadcast_in_dim3A = arith.constant 0.000000e+00 : f32
      %broadcast_in_dim3A_221 = vector.broadcast %broadcast_in_dim3A : f32 to vector<16xf32>
      %scan3A_222 = arith.constant 0 : i32
      %scan3A_223 = arith.constant 64 : i32
      %scan3A_224 = arith.addi %scan3A_222, %scan3A_223 : i32
      %scan3A_225 = arith.constant 1 : i32
      %scan3A_226:6 = scf.for %scan3A_348 = %scan3A_222 to %scan3A_224 step %scan3A_225 iter_args(%scan3A_349 = %broadcast_in_dim3A_221, %scan3A_350 = %broadcast_in_dim3A_221, %scan3A_351 = %broadcast_in_dim3A_221, %scan3A_352 = %broadcast_in_dim3A_221, %scan3A_353 = %broadcast_in_dim3A_221, %scan3A_354 = %broadcast_in_dim3A_221) -> (vector<16xf32>, vector<16xf32>, vector<16xf32>, vector<16xf32>, vector<16xf32>, vector<16xf32>)  : i32 {
        %broadcast_in_dim3A_355 = vector.broadcast %scan3A_348 : i32 to vector<16xi32>
        %gather3A = tpu.vector_load_idx %arg11[%add3A_220, %broadcast_in_dim3A_355] : memref<128x64xf32, #tpu.memory_space<vmem>>[vector<16xi32>, vector<16xi32>], vector<16xf32>,
        %gather3A_356 = tpu.vector_load_idx %arg12[%add3A_220, %broadcast_in_dim3A_355] : memref<128x64xf32, #tpu.memory_space<vmem>>[vector<16xi32>, vector<16xi32>], vector<16xf32>,
        %gather3A_357 = tpu.vector_load_idx %arg13[%add3A_220, %broadcast_in_dim3A_355] : memref<128x64xf32, #tpu.memory_space<vmem>>[vector<16xi32>, vector<16xi32>], vector<16xf32>,
        %mul3A_358 = arith.mulf %gather3A, %gather3A : vector<16xf32>
        %add3A_359 = arith.addf %scan3A_349, %mul3A_358 : vector<16xf32>
        %mul3A_360 = arith.mulf %gather3A_357, %gather3A_357 : vector<16xf32>
        %add3A_361 = arith.addf %scan3A_350, %mul3A_360 : vector<16xf32>
        %mul3A_362 = arith.mulf %gather3A_356, %gather3A_356 : vector<16xf32>
        %add3A_363 = arith.addf %scan3A_351, %mul3A_362 : vector<16xf32>
        %mul3A_364 = arith.mulf %gather3A, %gather3A_356 : vector<16xf32>
        %add3A_365 = arith.addf %scan3A_352, %mul3A_364 : vector<16xf32>
        %mul3A_366 = arith.mulf %gather3A, %gather3A_357 : vector<16xf32>
        %add3A_367 = arith.addf %scan3A_353, %mul3A_366 : vector<16xf32>
        %mul3A_368 = arith.mulf %gather3A_356, %gather3A_357 : vector<16xf32>
        %add3A_369 = arith.addf %scan3A_354, %mul3A_368 : vector<16xf32>
        scf.yield %add3A_359, %add3A_361, %add3A_363, %add3A_365, %add3A_367, %add3A_369 : vector<16xf32>, vector<16xf32>, vector<16xf32>, vector<16xf32>, vector<16xf32>, vector<16xf32>
      }
      %scan3A_227 = arith.constant 64 : i32
      %max3A = arith.constant 1.000000e-24 : f32
      %max3A_228 = vector.broadcast %max3A : f32 to vector<16xf32>
      %max3A_229 = arith.maximumf %scan3A_226#0, %max3A_228 : vector<16xf32>
      %bitcast3A = vector.bitcast %max3A_229 : vector<16xf32> to vector<16xi32>
      %shift_right_arithmetic3A = arith.constant 1 : i32
      %shift_right_arithmetic3A_230 = vector.broadcast %shift_right_arithmetic3A : i32 to vector<16xi32>
      %shift_right_arithmetic3A_231 = arith.shrsi %bitcast3A, %shift_right_arithmetic3A_230 : vector<16xi32>
      %sub3A = arith.constant 1597463007 : i32
      %sub3A_232 = vector.broadcast %sub3A : i32 to vector<16xi32>
      %sub3A_233 = arith.subi %sub3A_232, %shift_right_arithmetic3A_231 : vector<16xi32>
      %bitcast3A_234 = vector.bitcast %sub3A_233 : vector<16xi32> to vector<16xf32>
      %mul3A_235 = arith.constant 5.000000e-01 : f32
      %mul3A_236 = vector.broadcast %mul3A_235 : f32 to vector<16xf32>
      %mul3A_237 = arith.mulf %mul3A_236, %max3A_229 : vector<16xf32>
      %mul3A_238 = arith.mulf %mul3A_237, %bitcast3A_234 : vector<16xf32>
      %mul3A_239 = arith.mulf %mul3A_238, %bitcast3A_234 : vector<16xf32>
      %sub3A_240 = arith.constant 1.500000e+00 : f32
      %sub3A_241 = vector.broadcast %sub3A_240 : f32 to vector<16xf32>
      %sub3A_242 = arith.subf %sub3A_241, %mul3A_239 : vector<16xf32>
      %mul3A_243 = arith.mulf %bitcast3A_234, %sub3A_242 : vector<16xf32>
      %mul3A_244 = arith.mulf %mul3A_237, %mul3A_243 : vector<16xf32>
      %mul3A_245 = arith.mulf %mul3A_244, %mul3A_243 : vector<16xf32>
      %sub3A_246 = arith.constant 1.500000e+00 : f32
      %sub3A_247 = vector.broadcast %sub3A_246 : f32 to vector<16xf32>
      %sub3A_248 = arith.subf %sub3A_247, %mul3A_245 : vector<16xf32>
      %mul3A_249 = arith.mulf %mul3A_243, %sub3A_248 : vector<16xf32>
      %mul3A_250 = arith.mulf %mul3A_237, %mul3A_249 : vector<16xf32>
      %mul3A_251 = arith.mulf %mul3A_250, %mul3A_249 : vector<16xf32>
      %sub3A_252 = arith.constant 1.500000e+00 : f32
      %sub3A_253 = vector.broadcast %sub3A_252 : f32 to vector<16xf32>
      %sub3A_254 = arith.subf %sub3A_253, %mul3A_251 : vector<16xf32>
      %mul3A_255 = arith.mulf %mul3A_249, %sub3A_254 : vector<16xf32>
      %max3A_256 = arith.constant 1.000000e-24 : f32
      %max3A_257 = vector.broadcast %max3A_256 : f32 to vector<16xf32>
      %max3A_258 = arith.maximumf %scan3A_226#1, %max3A_257 : vector<16xf32>
      %bitcast3A_259 = vector.bitcast %max3A_258 : vector<16xf32> to vector<16xi32>
      %shift_right_arithmetic3A_260 = arith.constant 1 : i32
      %shift_right_arithmetic3A_261 = vector.broadcast %shift_right_arithmetic3A_260 : i32 to vector<16xi32>
      %shift_right_arithmetic3A_262 = arith.shrsi %bitcast3A_259, %shift_right_arithmetic3A_261 : vector<16xi32>
      %sub3A_263 = arith.constant 1597463007 : i32
      %sub3A_264 = vector.broadcast %sub3A_263 : i32 to vector<16xi32>
      %sub3A_265 = arith.subi %sub3A_264, %shift_right_arithmetic3A_262 : vector<16xi32>
      %bitcast3A_266 = vector.bitcast %sub3A_265 : vector<16xi32> to vector<16xf32>
      %mul3A_267 = arith.constant 5.000000e-01 : f32
      %mul3A_268 = vector.broadcast %mul3A_267 : f32 to vector<16xf32>
      %mul3A_269 = arith.mulf %mul3A_268, %max3A_258 : vector<16xf32>
      %mul3A_270 = arith.mulf %mul3A_269, %bitcast3A_266 : vector<16xf32>
      %mul3A_271 = arith.mulf %mul3A_270, %bitcast3A_266 : vector<16xf32>
      %sub3A_272 = arith.constant 1.500000e+00 : f32
      %sub3A_273 = vector.broadcast %sub3A_272 : f32 to vector<16xf32>
      %sub3A_274 = arith.subf %sub3A_273, %mul3A_271 : vector<16xf32>
      %mul3A_275 = arith.mulf %bitcast3A_266, %sub3A_274 : vector<16xf32>
      %mul3A_276 = arith.mulf %mul3A_269, %mul3A_275 : vector<16xf32>
      %mul3A_277 = arith.mulf %mul3A_276, %mul3A_275 : vector<16xf32>
      %sub3A_278 = arith.constant 1.500000e+00 : f32
      %sub3A_279 = vector.broadcast %sub3A_278 : f32 to vector<16xf32>
      %sub3A_280 = arith.subf %sub3A_279, %mul3A_277 : vector<16xf32>
      %mul3A_281 = arith.mulf %mul3A_275, %sub3A_280 : vector<16xf32>
      %mul3A_282 = arith.mulf %mul3A_269, %mul3A_281 : vector<16xf32>
      %mul3A_283 = arith.mulf %mul3A_282, %mul3A_281 : vector<16xf32>
      %sub3A_284 = arith.constant 1.500000e+00 : f32
      %sub3A_285 = vector.broadcast %sub3A_284 : f32 to vector<16xf32>
      %sub3A_286 = arith.subf %sub3A_285, %mul3A_283 : vector<16xf32>
      %mul3A_287 = arith.mulf %mul3A_281, %sub3A_286 : vector<16xf32>
      %mul3A_288 = arith.mulf %scan3A_226#0, %mul3A_255 : vector<16xf32>
      %mul3A_289 = arith.mulf %mul3A_288, %mul3A_255 : vector<16xf32>
      %mul3A_290 = arith.mulf %scan3A_226#1, %mul3A_287 : vector<16xf32>
      %mul3A_291 = arith.mulf %mul3A_290, %mul3A_287 : vector<16xf32>
      %add3A_292 = arith.addf %mul3A_289, %mul3A_291 : vector<16xf32>
      %add3A_293 = arith.addf %add3A_292, %scan3A_226#2 : vector<16xf32>
      %mul3A_294 = arith.mulf %scan3A_226#3, %mul3A_255 : vector<16xf32>
      %mul3A_295 = arith.mulf %scan3A_226#4, %mul3A_255 : vector<16xf32>
      %mul3A_296 = arith.mulf %mul3A_295, %mul3A_287 : vector<16xf32>
      %sub3A_297 = arith.subf %mul3A_294, %mul3A_296 : vector<16xf32>
      %mul3A_298 = arith.mulf %scan3A_226#5, %mul3A_287 : vector<16xf32>
      %sub3A_299 = arith.subf %sub3A_297, %mul3A_298 : vector<16xf32>
      %mul3A_300 = arith.constant 2.000000e+00 : f32
      %mul3A_301 = vector.broadcast %mul3A_300 : f32 to vector<16xf32>
      %mul3A_302 = arith.mulf %mul3A_301, %sub3A_299 : vector<16xf32>
      %add3A_303 = arith.addf %add3A_293, %mul3A_302 : vector<16xf32>
      %max3A_304 = arith.constant 0.000000e+00 : f32
      %max3A_305 = vector.broadcast %max3A_304 : f32 to vector<16xf32>
      %max3A_306 = arith.maximumf %add3A_303, %max3A_305 : vector<16xf32>
      %max3A_307 = arith.constant 1.000000e-24 : f32
      %max3A_308 = vector.broadcast %max3A_307 : f32 to vector<16xf32>
      %max3A_309 = arith.maximumf %max3A_306, %max3A_308 : vector<16xf32>
      %bitcast3A_310 = vector.bitcast %max3A_309 : vector<16xf32> to vector<16xi32>
      %shift_right_arithmetic3A_311 = arith.constant 1 : i32
      %shift_right_arithmetic3A_312 = vector.broadcast %shift_right_arithmetic3A_311 : i32 to vector<16xi32>
      %shift_right_arithmetic3A_313 = arith.shrsi %bitcast3A_310, %shift_right_arithmetic3A_312 : vector<16xi32>
      %sub3A_314 = arith.constant 1597463007 : i32
      %sub3A_315 = vector.broadcast %sub3A_314 : i32 to vector<16xi32>
      %sub3A_316 = arith.subi %sub3A_315, %shift_right_arithmetic3A_313 : vector<16xi32>
      %bitcast3A_317 = vector.bitcast %sub3A_316 : vector<16xi32> to vector<16xf32>
      %mul3A_318 = arith.constant 5.000000e-01 : f32
      %mul3A_319 = vector.broadcast %mul3A_318 : f32 to vector<16xf32>
      %mul3A_320 = arith.mulf %mul3A_319, %max3A_309 : vector<16xf32>
      %mul3A_321 = arith.mulf %mul3A_320, %bitcast3A_317 : vector<16xf32>
      %mul3A_322 = arith.mulf %mul3A_321, %bitcast3A_317 : vector<16xf32>
      %sub3A_323 = arith.constant 1.500000e+00 : f32
      %sub3A_324 = vector.broadcast %sub3A_323 : f32 to vector<16xf32>
      %sub3A_325 = arith.subf %sub3A_324, %mul3A_322 : vector<16xf32>
      %mul3A_326 = arith.mulf %bitcast3A_317, %sub3A_325 : vector<16xf32>
      %mul3A_327 = arith.mulf %mul3A_320, %mul3A_326 : vector<16xf32>
      %mul3A_328 = arith.mulf %mul3A_327, %mul3A_326 : vector<16xf32>
      %sub3A_329 = arith.constant 1.500000e+00 : f32
      %sub3A_330 = vector.broadcast %sub3A_329 : f32 to vector<16xf32>
      %sub3A_331 = arith.subf %sub3A_330, %mul3A_328 : vector<16xf32>
      %mul3A_332 = arith.mulf %mul3A_326, %sub3A_331 : vector<16xf32>
      %mul3A_333 = arith.mulf %mul3A_320, %mul3A_332 : vector<16xf32>
      %mul3A_334 = arith.mulf %mul3A_333, %mul3A_332 : vector<16xf32>
      %sub3A_335 = arith.constant 1.500000e+00 : f32
      %sub3A_336 = vector.broadcast %sub3A_335 : f32 to vector<16xf32>
      %sub3A_337 = arith.subf %sub3A_336, %mul3A_334 : vector<16xf32>
      %mul3A_338 = arith.mulf %mul3A_332, %sub3A_337 : vector<16xf32>
      %mul3A_339 = arith.mulf %max3A_306, %mul3A_338 : vector<16xf32>
      %neg3A = arith.constant 0.000000e+00 : f32
      %neg3A_340 = vector.broadcast %neg3A : f32 to vector<16xf32>
      %neg3A_341 = arith.subf %neg3A_340, %mul3A_339 : vector<16xf32>
      %mul3A_342 = arith.constant 16 : i32
      %mul3A_343 = arith.muli %scan3A_215, %mul3A_342 : i32
      %add3A_344 = arith.constant 384 : i32
      %add3A_345 = arith.addi %add3A_344, %mul3A_343 : i32
      %swap3A = arith.index_cast %add3A_345 : i32 to index
      %swap3A_346 = tpu.vector_load %arg14[%swap3A] {strides = array<i32>} : memref<512xf32, #tpu.memory_space<vmem>>, vector<16xf32>,
      tpu.vector_store %arg14[%swap3A], %neg3A_341 {strides = array<i32>} : memref<512xf32, #tpu.memory_space<vmem>>, vector<16xf32>,
      %scan3A_347 = arith.constant 0 : i32
      scf.yield %scan3A_347 : i32
    }
    %scan3A_214 = arith.constant 8 : i32
    "tpu.region"() ({
      %run_scoped3A_215 = tpu.sem_alloc : memref<!tpu.dma_semaphore, #tpu.memory_space<semaphore_mem>>
      %dma_start3A_216 = tpu.memref_slice %arg7[%mul3A_2] : memref<16384xf32, #tpu.memory_space<hbm>> -> memref<512xf32, #tpu.memory_space<hbm>>
      %dma_start3A_217 = tpu.memref_slice %arg7[%mul3A_2] : memref<16384xf32, #tpu.memory_space<hbm>> -> memref<512xf32, #tpu.memory_space<hbm>>
      tpu.enqueue_dma source(%arg14 : memref<512xf32, #tpu.memory_space<vmem>>) target(%dma_start3A_217 : memref<512xf32, #tpu.memory_space<hbm>>) target_semaphore(%run_scoped3A_215 : memref<!tpu.dma_semaphore, #tpu.memory_space<semaphore_mem>>)
      %dma_wait3A_218 = tpu.memref_slice %arg7[%mul3A_2] : memref<16384xf32, #tpu.memory_space<hbm>> -> memref<512xf32, #tpu.memory_space<hbm>>
      %dma_wait3A_219 = tpu.memref_slice %arg7[%mul3A_2] : memref<16384xf32, #tpu.memory_space<hbm>> -> memref<512xf32, #tpu.memory_space<hbm>>
      tpu.wait_dma2 semaphore(%run_scoped3A_215 : memref<!tpu.dma_semaphore, #tpu.memory_space<semaphore_mem>>) src(%arg14 : memref<512xf32, #tpu.memory_space<vmem>>) dst(%dma_wait3A_219 : memref<512xf32, #tpu.memory_space<hbm>>)
      tpu.yield
    }) : () -> ()
    return
  }
}

</mosaic_0001>

<sc_bundles>
// kernel: kernel.3.cloned.1.call-start
scs
__scs_entry_jumppad:
0x0: {  	(pc) =	sbr.rel $0x88, $3  }
0x1: {  	(tag) =	ssettag $0x0;
	lr =	simm.s32 $0x1  }
0x2: {  	[smem:$0x3F9C] =	sst lr;
	_ =	strace $0xD0000000  }
0x3: {  	_ = 	snop  }
0x4: {  	_ = 	snop  }
0x5: {  	_ = 	snop  }
0x6: {  	_ = 	snop  }
0x7: {  	_ = 	snop  }
__scs_overlays_trampoline_lowered:
0x8: {  	[smem:$0x3FAB] =	sst s0  }
0x9: {  	[smem:$0x3FAC] =	sst s1  }
0xa: {  	[smem:$0x3FAD] =	sst s2  }
0xb: {  	[smem:$0x3FAE] =	sst s3  }
0xc: {  	[smem:$0x3FAF] =	sst s4  }
0xd: {  	[smem:$0x3FB0] =	sst s5  }
0xe: {  	[smem:$0x3FB1] =	sst s6  }
0xf: {  	[smem:$0x3FB2] =	sst s7  }
0x10: {  	[smem:$0x3FB3] =	sst s8  }
0x11: {  	[smem:$0x3FB4] =	sst s9;
	s0 =	simm.s32 @!p0 $0x0  }
0x12: {  	s1 =	sld [smem:$0x3F9A];
	s0 =	simm.s32 @p0 $0x1  }
0x13: {  	[smem:$0x3FB5] =	sst s0;
	s0 =	simm.s32 @!p1 $0x0  }
0x14: {  	s2 =	sld [smem:$0x3F99];
	s0 =	simm.s32 @p1 $0x1  }
0x15: {  	[smem:$0x3FB6] =	sst s0;
	s0 =	simm.s32 @!p2 $0x0  }
0x16: {  	s3 =	sld [smem:$0x3FDB];
	s0 =	simm.s32 @p2 $0x1  }
0x17: {  	s4 =	simm.s32 $0x1BF5;
	[smem:$0x3FB8] =	sst s0  }
0x18: {  	s0 =	sld [smem:$0x3F9B];
	_ =	swait.ge [sflag:s4], $0x0  }
0x19: {  	s7 =	sld [smem:$0x3F9C]  }
0x1a: {  	s8 =	sadd.s32 $0xFFFFE003, lr  }
0x1b: {  	s9 =	sadd.s32 $0xFFFFFEF7, lr;
	s5 =	simm.s32 $0xFFFFFFFF;
	p2 =	slt.u32 s8, $0xFFFFF086  }
0x1c: {  	p1 =	slt.u32 s9, $0xF7A;
	s5 =	simm.s32 @!p2 $0x0  }
0x1d: {  	s5 =	simm.s32 @p1 $0x1;
	p0 =	seq.s32 s7, s2  }
0x1e: {  	s7 =	smul.u32 @!p0 $0xF7A, s2;
	p2 =	seq.s32 @!p0 s5, $0x0  }
0x1f: {  	s9 =	smul.u32 $0xF7A, s1;
	s8 =	simm.s32 @!p0 $0x1BF5;
	p2 =	por !p2, p0  }
0x20: {  	[sflag:s8] =	ssyncset.s32 @!p0 $0xFFFFF086;
	s6 =	sadd.s32 @!p0 s3, s7;
	s7 =	simm.s32 @!p0 $0x108  }
0x21: {  	s3 =	sadd.s32 s3, s9;
	s6 =	sadd.s32 @!p0 $0x88, s6;
	s7 =	simm.s32 @p2 $0x1082  }
0x22: {  	[simem:s7], [sflag:s8] =	dma.local @!p0 [hbm:s6], $0xF7A  }
0x23: {  	s9 =	sor.u32 $0xD0000000, s2;
	s6 =	simm.s32 $0x108;
	_ =	swait.ge @!p0 [sflag:s8], $0x0  }
0x24: {  	s3 =	sadd.s32 $0x88, s3;
	s6 =	simm.s32 @!p1 $0x1082;
	[sflag:s4] =	ssyncset.s32 $0xFFFFF086  }
0x25: {  	[simem:s6], [sflag:s4] =	dma.local [hbm:s3], $0xF7A  }
0x26: {  	[smem:$0x3F9C] =	sst s1;
	(tag) =	ssettag s2;
	_ =	strace s9  }
0x27: {  	s1 =	sld [smem:$0x3FAC]  }
0x28: {  	s2 =	sld [smem:$0x3FAD]  }
0x29: {  	s4 =	sld [smem:$0x3FAF]  }
0x2a: {  	p0 =	seq.s32 s5, $0x0;
	s5 =	sld [smem:$0x3FB0]  }
0x2b: {  	s6 =	sld [smem:$0x3FB1]  }
0x2c: {  	s7 =	sld [smem:$0x3FB2]  }
0x2d: {  	s3 =	simm.s32 $0x108;
	s8 =	sld [smem:$0x3FB3]  }
0x2e: {  	s3 =	simm.s32 @!p0 $0x1082;
	s9 =	sld [smem:$0x3FB4]  }
0x2f: {  	lr =	sadd.s32 s0, s3;
	s0 =	sld [smem:$0x3FAB]  }
0x30: {  	s3 =	sld [smem:$0x3FAE]  }
0x31: {  	[smem:$0x3FB7] =	sst s10  }
0x32: {  	s10 =	sld [smem:$0x3FB5];
	_ =	sdelay $0x3  }
0x33: {  	p0 =	seq.s32 s10, $0x1;
	s10 =	sld [smem:$0x3FB7];
	_ =	sdelay $0x3  }
0x34: {  	[smem:$0x3FB7] =	sst s10  }
0x35: {  	s10 =	sld [smem:$0x3FB6];
	_ =	sdelay $0x3  }
0x36: {  	p1 =	seq.s32 s10, $0x1;
	s10 =	sld [smem:$0x3FB7];
	_ =	sdelay $0x3  }
0x37: {  	[smem:$0x3FB7] =	sst s10  }
0x38: {  	s10 =	sld [smem:$0x3FB8]  }
0x39: {  	_ = 	snop;
	(pc) =	sbr.ind lr, $3  }
0x3a: {  	_ = 	snop  }
0x3b: {  	_ = 	snop  }
0x3c: {  	p2 =	seq.s32 s10, $0x1;
	s10 =	sld [smem:$0x3FB7]  }
0x3d: {  	_ =	shalt  }
0x3e: {  	_ =	shalt  }
0x3f: {  	_ =	shalt  }
0x40: {  	_ =	shalt  }
0x41: {  	_ =	shalt  }
0x42: {  	_ =	shalt  }
0x43: {  	_ =	shalt  }
0x44: {  	_ =	shalt  }
0x45: {  	_ =	shalt  }
0x46: {  	_ =	shalt  }
0x47: {  	_ =	shalt  }
0x48: {  	_ =	shalt  }
0x49: {  	_ =	shalt  }
0x4a: {  	_ =	shalt  }
0x4b: {  	_ =	shalt  }
0x4c: {  	_ =	shalt  }
0x4d: {  	_ =	shalt  }
0x4e: {  	_ =	shalt  }
0x4f: {  	_ =	shalt  }
0x50: {  	_ =	shalt  }
0x51: {  	_ =	shalt  }
0x52: {  	_ =	shalt  }
0x53: {  	_ =	shalt  }
0x54: {  	_ =	shalt  }
0x55: {  	_ =	shalt  }
0x56: {  	_ =	shalt  }
0x57: {  	_ =	shalt  }
0x58: {  	_ =	shalt  }
0x59: {  	_ =	shalt  }
0x5a: {  	_ =	shalt  }
0x5b: {  	_ =	shalt  }
0x5c: {  	_ =	shalt  }
0x5d: {  	_ =	shalt  }
0x5e: {  	_ =	shalt  }
0x5f: {  	_ =	shalt  }
0x60: {  	_ =	shalt  }
0x61: {  	_ =	shalt  }
0x62: {  	_ =	shalt  }
0x63: {  	_ =	shalt  }
0x64: {  	_ =	shalt  }
0x65: {  	_ =	shalt  }
0x66: {  	_ =	shalt  }
0x67: {  	_ =	shalt  }
0x68: {  	_ =	shalt  }
0x69: {  	_ =	shalt  }
0x6a: {  	_ =	shalt  }
0x6b: {  	_ =	shalt  }
0x6c: {  	_ =	shalt  }
0x6d: {  	_ =	shalt  }
0x6e: {  	_ =	shalt  }
0x6f: {  	_ =	shalt  }
0x70: {  	_ =	shalt  }
0x71: {  	_ =	shalt  }
0x72: {  	_ =	shalt  }
0x73: {  	_ =	shalt  }
0x74: {  	_ =	shalt  }
0x75: {  	_ =	shalt  }
0x76: {  	_ =	shalt  }
0x77: {  	_ =	shalt  }
0x78: {  	_ =	shalt  }
0x79: {  	_ =	shalt  }
0x7a: {  	_ =	shalt  }
0x7b: {  	_ =	shalt  }
0x7c: {  	_ =	shalt  }
0x7d: {  	_ =	shalt  }
0x7e: {  	_ =	shalt  }
0x7f: {  	_ =	shalt  }
0x80: {  	_ =	shalt  }
0x81: {  	_ =	shalt  }
0x82: {  	_ =	shalt  }
0x83: {  	_ =	shalt  }
0x84: {  	_ =	shalt  }
0x85: {  	_ =	shalt  }
0x86: {  	_ =	shalt  }
0x87: {  	_ =	shalt  }
.Lfunc_end0:
.L_simem_size_0:
called_computation_lowered:
.L_overlay_start_0:
0x88: {  	s2 =	sld [smem:$0x3FD9]  }
0x89: {  	s3 =	sld [smem:$0x3FFE];
	_ =	sdelay $0x1  }
0x8a: {  	s1 =	srdreg.scid  }
0x8b: {  	s0 =	sand.u32 $0x1, s1  }
0x8c: {  	s17 =	sshll.u32 s0, $0xA;
	s2 =	sadd.s32 s3, s2  }
0x8d: {  	s2 =	sadd.s32 s2, s17  }
0x8e: {  	[smem:$0x3FC3] =	sst s2  }
0x8f: {  	_ = 	snop  }
0x90: {  	s2 =	sld [smem:$0x3FC9]  }
0x91: {  	s18 =	sld [smem:$0x3FC8]  }
0x92: {  	s4 =	sld [smem:$0x3FC7]  }
0x93: {  	s5 =	sld [smem:$0x3FD0];
	(tm) =	ssettm $0x1  }
0x94: {  	s6 =	sld [smem:$0x3FFB];
	_ =	sdelay $0x3  }
0x95: {  	_ =	strace s6  }
0x96: {  	s6 =	sld [smem:$0x3FFC];
	_ =	sdelay $0x3  }
0x97: {  	_ =	strace s6  }
0x98: {  	s6 =	sld [smem:$0x3FFD];
	_ =	sdelay $0x3  }
0x99: {  	_ =	strace s6  }
0x9a: {  	_ =	strace $0x8FFFFFFF  }
0x9b: {  	s19 =	sld [smem:$0x3FDB];
	_ =	sdelay $0x1  }
0x9c: {  	s7 =	simm.s32 $_scs_section_size  }
0x9d: {  	s8 =	simm.s32 $_size__tile_overlayer_lowered;
	s9 =	simm.s32 $_tile_overlayer_lowered  }
0x9e: {  	s22 =	simm.s32 $0x1BFF;
	s21 =	sshll.u32 s9, $0x1;
	s6 =	sadd.s32 s7, s19  }
0x9f: {  	s10 =	simm.s32 $0x0;
	s20 =	sshll.u32 s8, $0x1;
	s8 =	sadd.s32 s21, s6  }
0xa0: {  	[timem:s10], [sflag:s22] =	dma.local [hbm:s8], s20  }
0xa1: {  	_ =	swait.ge [sflag:s22], s20  }
0xa2: {  	s7 =	ssub.s32 $0x0, s20;
	[sflag:s22] =	ssyncset.done $0x0  }
0xa3: {  	[sflag:s22] =	ssyncadd.s32 s7;
	_ =	sdelay $0x1  }
0xa4: {  	s23 =	simm.s32 $0x1B8B  }
0xa5: {  	_ =	swait.ge [sflag:s23], $0x1  }
0xa6: {  	[sflag:s23] =	ssyncset.done $0x0  }
0xa7: {  	s25 =	simm.s32 $0x1B8E;
	s24 =	sld [smem:$0x3FFE];
	[sflag:s23] =	ssyncadd.s32 $0xFFFFFFFF  }
0xa8: {  	s26 =	simm.s32 $execute0_lowered;
	[smem:$0x3FD2] =	sst s25  }
0xa9: {  	s8 =	sshll.u32 s26, $0x1;
	_ =	strace $0x80000046;
	[dreg:$0x1] =	wrdreg $0xFFFFFFFF  }
0xaa: {  	s28 =	simm.s32 $_size_execute0_lowered;
	s6 =	sadd.s32 s6, s8;
	[dreg:$0x0] =	wrdreg $0x0  }
0xab: {  	s8 =	sshll.u32 s28, $0x1;
	[dreg:$0x2] =	wrdreg s6  }
0xac: {  	[dreg:$0x3] =	wrdreg s8  }
0xad: {  	[dreg:$0x4] =	wrdreg $0xC0  }
0xae: {  	_ =	task [dreg:s10], $0x5FFFF  }
0xaf: {  	[dreg:$0x1] =	wrdreg $0xFFFFFFFF  }
0xb0: {  	[dreg:$0x0] =	wrdreg $0x60  }
0xb1: {  	[dreg:$0x2] =	wrdreg s2  }
0xb2: {  	[dreg:$0x3] =	wrdreg s18  }
0xb3: {  	[dreg:$0x4] =	wrdreg s4  }
0xb4: {  	[dreg:$0x5] =	wrdreg s24  }
0xb5: {  	[dreg:$0x6] =	wrdreg s5  }
0xb6: {  	[dreg:$0x7] =	wrdreg $0x9  }
0xb7: {  	_ =	task.clear_ibuf [dreg:s10], $0x8FFFF;
	_ =	strace $0x90000046  }
0xb8: {  	s29 =	simm.s32 $0x9;
	_ =	strace $0x80000048  }
0xb9: {  	_ =	swait.ge [sflag:s29], $0x1  }
0xba: {  	[sflag:s29] =	ssyncadd.s32 $0xFFFFFFFF  }
0xbb: {  	_ =	strace $0x90000048  }
0xbc: {  	_ =	sfence  }
0xbd: {  	s30 =	sld [smem:$0x0];
	_ =	sdelay $0x2  }
0xbe: {  	s31 =	sshll.u32 s1, $0xD;
	s1 =	sshrl.u32 s1, $0x2  }
0xbf: {  	s3 =	sand.u32 $0x4000, s31;
	s1 =	sadd.s32 s1, s30  }
0xc0: {  	s0 =	sor.u32 s3, s0;
	s1 =	sshll.u32 s1, $0x11  }
0xc1: {  	s0 =	sor.u32 s1, s0  }
0xc2: {  	s0 =	sadd.s32 $0x8F2B, s0  }
0xc3: {  	[sflag:s0] =	ssyncadd.remote.s32 $0x1  }
0xc4: {  	_ =	sfence.sel $0xFFFF  }
0xc5: {  	[dreg:$0x0] =	wrdreg $0xFFFFFFFF;
	(pc) =	sbr.abs _section_cstart, $3  }
0xc6: {  	[dreg:$0x1] =	wrdreg $0xFFFFFFFF  }
0xc7: {  	_ =	task.clear_ibuf [dreg:s10], $0x2FFFF;
	_ =	strace $0x9FFFFFFF  }
0xc8: {  	(tm) =	ssettm $0x7FFFFFFF  }
0xc9: {  	_ =	shalt  }
tec
execute0_lowered:
.L_overlay_start_1:
0x0: {  	(tag) =	ssettag $0x1  }
0x1: {  	s0 =	rddreg [dreg:$0x0]  }
0x2: {  	s2 =	rddreg [dreg:$0x1]  }
0x3: {  	s5 =	rddreg [dreg:$0x2]  }
0x4: {  	s4 =	rddreg [dreg:$0x3]  }
0x5: {  	s6 =	rddreg [dreg:$0x4];
	s1 =	simm.s32 $0x0  }
0x6: {  	s7 =	srdreg.scid;
	s9 =	stileid.u32;
	s19 =	simm.s32 $0x2  }
0x7: {  	s28 =	simm.s32 $0x500;
	s29 =	simm.s32 $0x180;
	s30 =	simm.s32 $0x380  }
0x8: {  	s31 =	simm.s32 $0x580;
	[smem:$0x7FF] =	sst s1;
	s7 =	sand.u32 $0x1, s7  }
0x9: {  	s3 =	sadd.s32 $0xF42A00, s4;
	s9 =	sshll.u32 s9, $0x7;
	s8 =	ssub.s32 $0x2, s7  }
0xa: {  	s4 =	sadd.s32 $0x600, s4;
	s7 =	sshll.u32 s7, $0x6;
	s10 =	sshrl.u32 s8, $0x1  }
0xb: {  	_ =	strace $0x80000047;
	s7 =	sor.u32 s7, s9;
	s8 =	ssub.s32 s8, s10  }
0xc: {  	s9 =	sadd.s32 s0, s7;
	s21 =	sor.u32 $0x10, s7;
	s22 =	sadd.s32 s2, s7  }
0xd: {  	s23 =	sadd.s32 s5, s7;
	s26 =	sor.u32 $0x20, s7;
	[dreg:$0x6] =	wrdreg s9  }
0xe: {  	s16 =	sor.u32 $0x30, s7;
	s17 =	sadd.s32 s6, s7;
	[dreg:$0x7] =	wrdreg s22  }
0xf: {  	s6 =	simm.s32 $0x1;
	s7 =	simm.s32 $0x0;
	[dreg:$0x8] =	wrdreg s23  }
0x10: {  	s24 =	sadd.s32 s0, s21;
	s25 =	sadd.s32 s2, s21;
	s9 =	sadd.s32 s5, s21  }
0x11: {  	s11 =	sadd.s32 s0, s26;
	s12 =	sadd.s32 s2, s26;
	s13 =	sadd.s32 s5, s26  }
0x12: {  	s14 =	sadd.s32 s0, s16;
	s15 =	sadd.s32 s2, s16;
	s16 =	sadd.s32 s5, s16  }
0x13: {  	s18 =	smax.u32 s8, $0x1;
	s22 =	simm.s32 $0x80;
	s23 =	simm.s32 $0x280  }
0x14: {  	s26 =	simm.s32 $0x300;
	s0 =	simm.s32 $0x600;
	[dreg:$0x9] =	wrdreg s24  }
0x15: {  	v0 =	vlaneseq.u32;
	s2 =	simm.s32 $0x2600;
	s5 =	simm.s32 $0x4600;
	[dreg:$0xa] =	wrdreg s25  }
0x16: {  	v0 =	vmul.u32 $0x40, v0;
	[dreg:$0xb] =	wrdreg s9;
	s24 =	simm.s32 $0x480;
	s25 =	simm.s32 $0x100  }
.LBB2_1:
0x17: {  	s8 =	rddreg [dreg:$0x6]  }
0x18: {  	[tilespmem:s1], [sflag:$0x2] =	stream.linear.gather [hbm4b:s8+s1], $0x80, $0x38;
	[tilespmem:$0x6800] =	vst v63  }
0x19: {  	_ =	swait.ge [sflag:s19], $0x80  }
0x1a: {  	[sflag:s19] =	ssyncset.done $0x0  }
0x1b: {  	s9 =	simm.s32 $0x200;
	s10 =	rddreg [dreg:$0x7];
	[sflag:s19] =	ssyncadd.s32 $0xFFFFFF80  }
0x1c: {  	[tilespmem:s9], [sflag:$0x2] =	stream.linear.gather [hbm4b:s10+s1], $0x80, $0x38;
	[tilespmem:$0x6800] =	vst v63  }
0x1d: {  	_ =	swait.ge [sflag:s19], $0x80  }
0x1e: {  	[sflag:s19] =	ssyncset.done $0x0  }
0x1f: {  	s10 =	simm.s32 $0x400;
	s20 =	rddreg [dreg:$0x8];
	[sflag:s19] =	ssyncadd.s32 $0xFFFFFF80  }
0x20: {  	[tilespmem:s10], [sflag:$0x2] =	stream.linear.gather [hbm4b:s20+s1], $0x80, $0x38;
	[tilespmem:$0x6800] =	vst v63  }
0x21: {  	_ =	swait.ge [sflag:s19], $0x80  }
0x22: {  	[sflag:s19] =	ssyncset.done $0x0  }
0x23: {  	s21 =	rddreg [dreg:$0x9];
	[sflag:s19] =	ssyncadd.s32 $0xFFFFFF80  }
0x24: {  	[tilespmem:s22], [sflag:$0x2] =	stream.linear.gather [hbm4b:s21+s1], $0x80, $0x38;
	[tilespmem:$0x6800] =	vst v63  }
0x25: {  	_ =	swait.ge [sflag:s19], $0x80  }
0x26: {  	[sflag:s19] =	ssyncset.done $0x0  }
0x27: {  	s20 =	rddreg [dreg:$0xa];
	[sflag:s19] =	ssyncadd.s32 $0xFFFFFF80  }
0x28: {  	[tilespmem:s23], [sflag:$0x2] =	stream.linear.gather [hbm4b:s20+s1], $0x80, $0x38;
	[tilespmem:$0x6800] =	vst v63  }
0x29: {  	_ =	swait.ge [sflag:s19], $0x80  }
0x2a: {  	[sflag:s19] =	ssyncset.done $0x0  }
0x2b: {  	s21 =	rddreg [dreg:$0xb];
	[sflag:s19] =	ssyncadd.s32 $0xFFFFFF80  }
0x2c: {  	[tilespmem:s24], [sflag:$0x2] =	stream.linear.gather [hbm4b:s21+s1], $0x80, $0x38;
	[tilespmem:$0x6800] =	vst v63  }
0x2d: {  	_ =	swait.ge [sflag:s19], $0x80  }
0x2e: {  	[sflag:s19] =	ssyncset.done $0x0  }
0x2f: {  	[sflag:s19] =	ssyncadd.s32 $0xFFFFFF80  }
0x30: {  	[tilespmem:s25], [sflag:$0x2] =	stream.linear.gather [hbm4b:s11+s1], $0x80, $0x38;
	[tilespmem:$0x6800] =	vst v63  }
0x31: {  	_ =	swait.ge [sflag:s19], $0x80  }
0x32: {  	[sflag:s19] =	ssyncset.done $0x0  }
0x33: {  	[sflag:s19] =	ssyncadd.s32 $0xFFFFFF80  }
0x34: {  	[tilespmem:s26], [sflag:$0x2] =	stream.linear.gather [hbm4b:s12+s1], $0x80, $0x38;
	[tilespmem:$0x6800] =	vst v63  }
0x35: {  	_ =	swait.ge [sflag:s19], $0x80  }
0x36: {  	[sflag:s19] =	ssyncset.done $0x0  }
0x37: {  	[sflag:s19] =	ssyncadd.s32 $0xFFFFFF80  }
0x38: {  	[tilespmem:s28], [sflag:$0x2] =	stream.linear.gather [hbm4b:s13+s1], $0x80, $0x38;
	[tilespmem:$0x6800] =	vst v63  }
0x39: {  	_ =	swait.ge [sflag:s19], $0x80  }
0x3a: {  	[sflag:s19] =	ssyncset.done $0x0  }
0x3b: {  	[sflag:s19] =	ssyncadd.s32 $0xFFFFFF80  }
0x3c: {  	[tilespmem:s29], [sflag:$0x2] =	stream.linear.gather [hbm4b:s14+s1], $0x80, $0x38;
	[tilespmem:$0x6800] =	vst v63  }
0x3d: {  	_ =	swait.ge [sflag:s19], $0x80  }
0x3e: {  	[sflag:s19] =	ssyncset.done $0x0  }
0x3f: {  	[sflag:s19] =	ssyncadd.s32 $0xFFFFFF80  }
0x40: {  	[tilespmem:s30], [sflag:$0x2] =	stream.linear.gather [hbm4b:s15+s1], $0x80, $0x38;
	[tilespmem:$0x6800] =	vst v63  }
0x41: {  	_ =	swait.ge [sflag:s19], $0x80  }
0x42: {  	[sflag:s19] =	ssyncset.done $0x0  }
0x43: {  	[sflag:s19] =	ssyncadd.s32 $0xFFFFFF80  }
0x44: {  	[tilespmem:s31], [sflag:$0x2] =	stream.linear.gather [hbm4b:s16+s1], $0x80, $0x38;
	[tilespmem:$0x6800] =	vst v63  }
0x45: {  	_ =	swait.ge [sflag:s19], $0x80  }
0x46: {  	[sflag:s19] =	ssyncset.done $0x0  }
0x47: {  	[sflag:s19] =	ssyncadd.s32 $0xFFFFFF80  }
0x48: {  	[tilespmem:s0], [sflag:$0x1] =	stream.indirect.gather [hbm4b:s3+s22], $0x40, s1, s22, $0xb8;
	[tilespmem:$0x6800] =	vst v63  }
0x49: {  	_ = 	snop  }
0x4a: {  	[tilespmem:s2], [sflag:$0x1] =	stream.indirect.gather [hbm4b:s4+s22], $0x40, s9, s22, $0xb8;
	[tilespmem:$0x6800] =	vst v63  }
0x4b: {  	_ = 	snop  }
0x4c: {  	[tilespmem:s5], [sflag:$0x1] =	stream.indirect.gather [hbm4b:s3+s22], $0x40, s10, s22, $0xb8;
	[tilespmem:$0x6800] =	vst v63  }
0x4d: {  	_ =	swait.ge [sflag:s6], $0x2000  }
0x4e: {  	[sflag:s6] =	ssyncset.done $0x0  }
0x4f: {  	[sflag:s6] =	ssyncadd.s32 $0xFFFFE000  }
0x50: {  	_ =	swait.ge [sflag:s6], $0x2000  }
0x51: {  	[sflag:s6] =	ssyncset.done $0x0  }
0x52: {  	[sflag:s6] =	ssyncadd.s32 $0xFFFFE000  }
0x53: {  	_ =	swait.ge [sflag:s6], $0x2000  }
0x54: {  	[sflag:s6] =	ssyncset.done $0x0  }
0x55: {  	s8 =	simm.s32 $0x0;
	[sflag:s6] =	ssyncadd.s32 $0xFFFFE000  }
.LBB2_2:
0x56: {  	s9 =	simm.s32 $0x0  }
0x57: {  	s20 =	sshll.u32 s8, $0x4;
	v1 =	vmov s9  }
0x58: {  	v2 =	vmov s20;
	v1 =	vand.u32 $0x3F, v1  }
0x59: {  	v2 =	vshll.u32 v2, $0x6;
	v1 =	vbroadcast v1, $0x0  }
0x5a: {  	v11 =	vor.u32 v0, v2  }
0x5b: {  	v1 =	vor.u32 v11, v1  }
0x5c: {  	s10 =	simm.s32 $0x1  }
0x5d: {  	v2 =	vmov s10  }
0x5e: {  	v2 =	vand.u32 $0x3F, v2  }
0x5f: {  	v2 =	vbroadcast v2, $0x0  }
0x60: {  	s21 =	simm.s32 $0x2;
	v8 =	vld.idx.msk [tilespmem:v1+s5+$0x0], $0xffff  }
0x61: {  	v5 =	vor.u32 v11, v2;
	v2 =	vmov s21;
	v9 =	vld.idx.msk [tilespmem:v1+s0+$0x0], $0xffff  }
0x62: {  	v2 =	vand.u32 $0x3F, v2  }
0x63: {  	v16 =	vbroadcast v2, $0x0;
	v2 =	vld.idx.msk [tilespmem:v1+s2+$0x0], $0xffff  }
0x64: {  	v12 =	vimm.f32 $0.0e+00;
	v6 =	vimm.f32 $0.0e+00  }
0x65: {  	v13 =	vimm.f32 $0.0e+00;
	v4 =	vimm.f32 $0.0e+00;
	v7 =	vimm.f32 $0.0e+00  }
0x66: {  	s9 =	simm.s32 $0x3;
	v1 =	vimm.f32 $0.0e+00;
	v3 =	vld.idx.msk [tilespmem:v5+s5+$0x0], $0xffff;
	v15 =	vmul.f32 v8, v8;
	v10 =	vmul.f32 v8, v9;
	v14 =	vmovc v9  }
.LBB2_3:
0x67: {  	v17 =	vmul.f32 v14, v9  }
0x68: {  	p0 =	sne.s32 s9, $0x3F;
	v14 =	vld.idx.msk [tilespmem:v5+s0+$0x0], $0xffff;
	v12 =	vadd.f32 v15, v12;
	v15 =	vmul.f32 v2, v2;
	v18 =	vmov v2;
	s21 =	smov.u32 s9;
	s9 =	sadd.s32 $0x1, s9  }
0x69: {  	v2 =	vld.idx.msk [tilespmem:v5+s2+$0x0], $0xffff;
	v5 =	vor.u32 v11, v16;
	v6 =	vadd.f32 v10, v6;
	v8 =	vmul.f32 v8, v18  }
.Ltmp0:
0x6a: {  	v9 =	vmul.f32 v18, v9;
	v13 =	vadd.f32 v17, v13;
	v1 =	vadd.f32 v15, v1;
	(pc) =	sbr.rel @p0 .LBB2_3-.Ltmp0, $4  }
0x6b: {  	v4 =	vadd.f32 v8, v4  }
0x6c: {  	v10 =	vmov s21;
	v7 =	vadd.f32 v9, v7  }
0x6d: {  	v17 =	vand.u32 $0x3F, v10;
	v15 =	vmul.f32 v3, v3;
	v8 =	vmov v3  }
0x6e: {  	v16 =	vbroadcast v17, $0x0;
	v9 =	vmov v14;
	v3 =	vld.idx.msk [tilespmem:v5+s5+$0x0], $0xffff;
	v10 =	vmul.f32 v8, v14  }
0x6f: {  	_ = 	snop  }
0x70: {  	v11 =	vor.u32 v11, v16;
	_ =	sdelay $0x2  }
0x71: {  	v44 =	vld.idx.msk [tilespmem:v5+s0+$0x0], $0xffff;
	_ =	sdelay $0x1  }
0x72: {  	v17 =	vld.idx.msk [tilespmem:v11+s0+$0x0], $0xffff  }
0x73: {  	v14 =	vmul.f32 v14, v9;
	v18 =	vld.idx.msk [tilespmem:v11+s5+$0x0], $0xffff;
	_ =	sdelay $0x1  }
0x74: {  	v13 =	vadd.f32 v14, v13;
	v45 =	vmul.f32 v44, v44  }
0x75: {  	v12 =	vadd.f32 v15, v12;
	v46 =	vmul.f32 v3, v3  }
0x76: {  	v13 =	vadd.f32 v45, v13;
	v47 =	vmul.f32 v17, v17  }
0x77: {  	v12 =	vadd.f32 v46, v12;
	v48 =	vmul.f32 v18, v18  }
0x78: {  	v13 =	vadd.f32 v47, v13  }
0x79: {  	v12 =	vadd.f32 v48, v12  }
0x7a: {  	v14 =	vmax.f32 v13, $1.000000020e-24  }
0x7b: {  	v19 =	vmax.f32 v12, $1.000000020e-24;
	v49 =	vshra.s32 v14, $0x1;
	v14 =	vmul.f32 $5.000000000e-01, v14  }
0x7c: {  	v20 =	vshra.s32 v19, $0x1;
	v19 =	vmul.f32 $5.000000000e-01, v19;
	v15 =	vsub.s32 $0x5F3759DF, v49  }
0x7d: {  	v20 =	vsub.s32 $0x5F3759DF, v20;
	v21 =	vmul.f32 v15, v14  }
0x7e: {  	v22 =	vmul.f32 v20, v19  }
0x7f: {  	v21 =	vmul.f32 v15, v21  }
0x80: {  	v22 =	vmul.f32 v20, v22  }
0x81: {  	v21 =	vsub.f32 $1.500000000e+00, v21  }
0x82: {  	v22 =	vsub.f32 $1.500000000e+00, v22  }
0x83: {  	v15 =	vmul.f32 v15, v21  }
0x84: {  	v20 =	vmul.f32 v20, v22  }
0x85: {  	v21 =	vmul.f32 v15, v14  }
0x86: {  	v22 =	vmul.f32 v20, v19  }
0x87: {  	v21 =	vmul.f32 v21, v15  }
0x88: {  	v22 =	vmul.f32 v22, v20  }
0x89: {  	v21 =	vsub.f32 $1.500000000e+00, v21  }
0x8a: {  	v22 =	vsub.f32 $1.500000000e+00, v22  }
0x8b: {  	v50 =	vld.idx.msk [tilespmem:v5+s2+$0x0], $0xffff;
	v8 =	vmul.f32 v8, v2;
	v15 =	vmul.f32 v21, v15  }
0x8c: {  	v51 =	vmul.f32 v2, v9;
	v20 =	vmul.f32 v22, v20  }
0x8d: {  	v2 =	vmul.f32 v2, v2;
	v14 =	vmul.f32 v15, v14  }
0x8e: {  	v6 =	vadd.f32 v10, v6;
	v7 =	vadd.f32 v51, v7;
	v11 =	vld.idx.msk [tilespmem:v11+s2+$0x0], $0xffff;
	v19 =	vmul.f32 v20, v19  }
0x8f: {  	v4 =	vadd.f32 v8, v4;
	v52 =	vmul.f32 v3, v44;
	v14 =	vmul.f32 v14, v15  }
0x90: {  	v1 =	vadd.f32 v2, v1;
	v53 =	vmul.f32 v50, v44;
	v54 =	vmul.f32 v19, v20  }
0x91: {  	v6 =	vadd.f32 v52, v6;
	v55 =	vmul.f32 v18, v17;
	v56 =	vsub.f32 $1.500000000e+00, v14  }
0x92: {  	v3 =	vmul.f32 v3, v50;
	v7 =	vadd.f32 v53, v7;
	v8 =	vsub.f32 $1.500000000e+00, v54  }
0x93: {  	v57 =	vmul.f32 v11, v17;
	v6 =	vadd.f32 v55, v6;
	v10 =	vmul.f32 v56, v15  }
0x94: {  	v3 =	vadd.f32 v3, v4;
	v59 =	vmul.f32 v18, v11;
	v58 =	vmul.f32 v8, v20  }
0x95: {  	v5 =	vmul.f32 v50, v50;
	v7 =	vadd.f32 v57, v7;
	v6 =	vmul.f32 v10, v6  }
0x96: {  	v3 =	vadd.f32 v59, v3;
	v2 =	vmul.f32 v10, v13;
	v60 =	vmul.f32 v58, v12  }
0x97: {  	v7 =	vmul.f32 v10, v7;
	v6 =	vmul.f32 v58, v6  }
0x98: {  	v1 =	vadd.f32 v5, v1;
	v61 =	vmul.f32 v11, v11;
	v3 =	vmul.f32 v58, v3  }
0x99: {  	v2 =	vmul.f32 v2, v10;
	v62 =	vmul.f32 v60, v58;
	v6 =	vsub.f32 v7, v6  }
0x9a: {  	v1 =	vadd.f32 v61, v1  }
0x9b: {  	v2 =	vadd.f32 v62, v2;
	v3 =	vsub.f32 v6, v3;
	_ =	sdelay $0x1  }
0x9c: {  	v1 =	vadd.f32 v2, v1;
	v2 =	vadd.f32 v3, v3;
	_ =	sdelay $0x1  }
0x9d: {  	v1 =	vadd.f32 v2, v1;
	_ =	sdelay $0x1  }
0x9e: {  	v2 =	vmax.f32 v1, $1.000000020e-24  }
0x9f: {  	v3 =	vshra.s32 v2, $0x1;
	v2 =	vmul.f32 $5.000000000e-01, v2  }
0xa0: {  	v3 =	vsub.s32 $0x5F3759DF, v3  }
0xa1: {  	v63 =	vmul.f32 v3, v2;
	_ =	sdelay $0x1  }
0xa2: {  	v4 =	vmul.f32 v3, v63;
	_ =	sdelay $0x1  }
0xa3: {  	v4 =	vsub.f32 $1.500000000e+00, v4;
	_ =	sdelay $0x1  }
0xa4: {  	v3 =	vmul.f32 v3, v4;
	_ =	sdelay $0x1  }
0xa5: {  	v4 =	vmul.f32 v3, v2;
	_ =	sdelay $0x1  }
0xa6: {  	v4 =	vmul.f32 v4, v3;
	_ =	sdelay $0x1  }
0xa7: {  	v4 =	vsub.f32 $1.500000000e+00, v4;
	_ =	sdelay $0x1  }
0xa8: {  	v3 =	vmul.f32 v4, v3;
	_ =	sdelay $0x1  }
0xa9: {  	v2 =	vmul.f32 v3, v2;
	_ =	sdelay $0x1  }
0xaa: {  	v2 =	vmul.f32 v2, v3;
	_ =	sdelay $0x1  }
0xab: {  	v2 =	vsub.f32 $1.500000000e+00, v2;
	_ =	sdelay $0x1  }
0xac: {  	s8 =	sadd.s32 $0x1, s8;
	v2 =	vmul.f32 v2, v3  }
0xad: {  	p0 =	sne.s32 s8, $0x8;
	v1 =	vmax.f32 v1, $0.0e+00  }
.Ltmp1:
0xae: {  	v1 =	vmul.f32 v2, v1;
	(pc) =	sbr.rel @p0 .LBB2_2-.Ltmp1, $3  }
0xaf: {  	_ = 	snop  }
0xb0: {  	v1 =	vsub.f32 $0.0e+00, v1;
	_ =	sdelay $0x1  }
0xb1: {  	[tilespmem:s20+$0x6600] =	vst v1  }
0xb2: {  	[tilespmem:s0], [sflag:$0x1] =	stream.indirect.gather [hbm4b:s3+s22], $0x40, s22, s22, $0xb8;
	[tilespmem:$0x6800] =	vst v63  }
0xb3: {  	_ = 	snop  }
0xb4: {  	[tilespmem:s2], [sflag:$0x1] =	stream.indirect.gather [hbm4b:s4+s22], $0x40, s23, s22, $0xb8;
	[tilespmem:$0x6800] =	vst v63  }
0xb5: {  	_ = 	snop  }
0xb6: {  	[tilespmem:s5], [sflag:$0x1] =	stream.indirect.gather [hbm4b:s3+s22], $0x40, s24, s22, $0xb8;
	[tilespmem:$0x6800] =	vst v63  }
0xb7: {  	_ =	swait.ge [sflag:s6], $0x2000  }
0xb8: {  	[sflag:s6] =	ssyncset.done $0x0  }
0xb9: {  	[sflag:s6] =	ssyncadd.s32 $0xFFFFE000  }
0xba: {  	_ =	swait.ge [sflag:s6], $0x2000  }
0xbb: {  	[sflag:s6] =	ssyncset.done $0x0  }
0xbc: {  	[sflag:s6] =	ssyncadd.s32 $0xFFFFE000  }
0xbd: {  	_ =	swait.ge [sflag:s6], $0x2000  }
0xbe: {  	[sflag:s6] =	ssyncset.done $0x0  }
0xbf: {  	s8 =	simm.s32 $0x0;
	s20 =	simm.s32 $0x0;
	[sflag:s6] =	ssyncadd.s32 $0xFFFFE000  }
.LBB2_6:
0xc0: {  	s9 =	sshll.u32 s20, $0x4;
	v1 =	vmov s8  }
0xc1: {  	v2 =	vmov s9;
	v1 =	vand.u32 $0x3F, v1  }
0xc2: {  	v2 =	vshll.u32 v2, $0x6;
	v1 =	vbroadcast v1, $0x0  }
0xc3: {  	v11 =	vor.u32 v0, v2  }
0xc4: {  	v1 =	vor.u32 v11, v1  }
0xc5: {  	s21 =	simm.s32 $0x1  }
0xc6: {  	v2 =	vmov s21  }
0xc7: {  	v2 =	vand.u32 $0x3F, v2  }
0xc8: {  	v2 =	vbroadcast v2, $0x0  }
0xc9: {  	s10 =	simm.s32 $0x2;
	v8 =	vld.idx.msk [tilespmem:v1+s5+$0x0], $0xffff  }
0xca: {  	v5 =	vor.u32 v11, v2;
	v2 =	vmov s10;
	v9 =	vld.idx.msk [tilespmem:v1+s0+$0x0], $0xffff  }
0xcb: {  	v2 =	vand.u32 $0x3F, v2  }
0xcc: {  	v16 =	vbroadcast v2, $0x0;
	v2 =	vld.idx.msk [tilespmem:v1+s2+$0x0], $0xffff  }
0xcd: {  	v12 =	vimm.f32 $0.0e+00;
	v6 =	vimm.f32 $0.0e+00  }
0xce: {  	v13 =	vimm.f32 $0.0e+00;
	v4 =	vimm.f32 $0.0e+00;
	v7 =	vimm.f32 $0.0e+00  }
0xcf: {  	s21 =	simm.s32 $0x3;
	v1 =	vimm.f32 $0.0e+00;
	v3 =	vld.idx.msk [tilespmem:v5+s5+$0x0], $0xffff;
	v15 =	vmul.f32 v8, v8;
	v10 =	vmul.f32 v8, v9;
	v14 =	vmovc v9  }
.LBB2_7:
0xd0: {  	v17 =	vmul.f32 v14, v9  }
0xd1: {  	p0 =	sne.s32 s21, $0x3F;
	v14 =	vld.idx.msk [tilespmem:v5+s0+$0x0], $0xffff;
	v12 =	vadd.f32 v15, v12;
	v15 =	vmul.f32 v2, v2;
	v18 =	vmov v2;
	s10 =	smov.u32 s21;
	s21 =	sadd.s32 $0x1, s21  }
0xd2: {  	v2 =	vld.idx.msk [tilespmem:v5+s2+$0x0], $0xffff;
	v5 =	vor.u32 v11, v16;
	v6 =	vadd.f32 v10, v6;
	v8 =	vmul.f32 v8, v18  }
.Ltmp2:
0xd3: {  	v9 =	vmul.f32 v18, v9;
	v13 =	vadd.f32 v17, v13;
	v1 =	vadd.f32 v15, v1;
	(pc) =	sbr.rel @p0 .LBB2_7-.Ltmp2, $4  }
0xd4: {  	v4 =	vadd.f32 v8, v4  }
0xd5: {  	v10 =	vmov s10;
	v7 =	vadd.f32 v9, v7  }
0xd6: {  	v17 =	vand.u32 $0x3F, v10;
	v15 =	vmul.f32 v3, v3;
	v8 =	vmov v3  }
0xd7: {  	v16 =	vbroadcast v17, $0x0;
	v9 =	vmov v14;
	v3 =	vld.idx.msk [tilespmem:v5+s5+$0x0], $0xffff;
	v10 =	vmul.f32 v8, v14  }
0xd8: {  	_ = 	snop  }
0xd9: {  	v11 =	vor.u32 v11, v16;
	_ =	sdelay $0x2  }
0xda: {  	v44 =	vld.idx.msk [tilespmem:v5+s0+$0x0], $0xffff;
	_ =	sdelay $0x1  }
0xdb: {  	v17 =	vld.idx.msk [tilespmem:v11+s0+$0x0], $0xffff  }
0xdc: {  	v14 =	vmul.f32 v14, v9;
	v18 =	vld.idx.msk [tilespmem:v11+s5+$0x0], $0xffff;
	_ =	sdelay $0x1  }
0xdd: {  	v13 =	vadd.f32 v14, v13;
	v45 =	vmul.f32 v44, v44  }
0xde: {  	v12 =	vadd.f32 v15, v12;
	v46 =	vmul.f32 v3, v3  }
0xdf: {  	v13 =	vadd.f32 v45, v13;
	v47 =	vmul.f32 v17, v17  }
0xe0: {  	v12 =	vadd.f32 v46, v12;
	v48 =	vmul.f32 v18, v18  }
0xe1: {  	v13 =	vadd.f32 v47, v13  }
0xe2: {  	v12 =	vadd.f32 v48, v12  }
0xe3: {  	v14 =	vmax.f32 v13, $1.000000020e-24  }
0xe4: {  	v19 =	vmax.f32 v12, $1.000000020e-24;
	v49 =	vshra.s32 v14, $0x1;
	v14 =	vmul.f32 $5.000000000e-01, v14  }
0xe5: {  	v20 =	vshra.s32 v19, $0x1;
	v19 =	vmul.f32 $5.000000000e-01, v19;
	v15 =	vsub.s32 $0x5F3759DF, v49  }
0xe6: {  	v20 =	vsub.s32 $0x5F3759DF, v20;
	v21 =	vmul.f32 v15, v14  }
0xe7: {  	v22 =	vmul.f32 v20, v19  }
0xe8: {  	v21 =	vmul.f32 v15, v21  }
0xe9: {  	v22 =	vmul.f32 v20, v22  }
0xea: {  	v21 =	vsub.f32 $1.500000000e+00, v21  }
0xeb: {  	v22 =	vsub.f32 $1.500000000e+00, v22  }
0xec: {  	v15 =	vmul.f32 v15, v21  }
0xed: {  	v20 =	vmul.f32 v20, v22  }
0xee: {  	v21 =	vmul.f32 v15, v14  }
0xef: {  	v22 =	vmul.f32 v20, v19  }
0xf0: {  	v21 =	vmul.f32 v21, v15  }
0xf1: {  	v22 =	vmul.f32 v22, v20  }
0xf2: {  	v21 =	vsub.f32 $1.500000000e+00, v21  }
0xf3: {  	v22 =	vsub.f32 $1.500000000e+00, v22  }
0xf4: {  	v50 =	vld.idx.msk [tilespmem:v5+s2+$0x0], $0xffff;
	v8 =	vmul.f32 v8, v2;
	v15 =	vmul.f32 v21, v15  }
0xf5: {  	v51 =	vmul.f32 v2, v9;
	v20 =	vmul.f32 v22, v20  }
0xf6: {  	v2 =	vmul.f32 v2, v2;
	v14 =	vmul.f32 v15, v14  }
0xf7: {  	v6 =	vadd.f32 v10, v6;
	v7 =	vadd.f32 v51, v7;
	v11 =	vld.idx.msk [tilespmem:v11+s2+$0x0], $0xffff;
	v19 =	vmul.f32 v20, v19  }
0xf8: {  	v4 =	vadd.f32 v8, v4;
	v52 =	vmul.f32 v3, v44;
	v14 =	vmul.f32 v14, v15  }
0xf9: {  	v1 =	vadd.f32 v2, v1;
	v53 =	vmul.f32 v50, v44;
	v54 =	vmul.f32 v19, v20  }
0xfa: {  	v6 =	vadd.f32 v52, v6;
	v55 =	vmul.f32 v18, v17;
	v56 =	vsub.f32 $1.500000000e+00, v14  }
0xfb: {  	v3 =	vmul.f32 v3, v50;
	v7 =	vadd.f32 v53, v7;
	v8 =	vsub.f32 $1.500000000e+00, v54  }
0xfc: {  	v57 =	vmul.f32 v11, v17;
	v6 =	vadd.f32 v55, v6;
	v10 =	vmul.f32 v56, v15  }
0xfd: {  	v3 =	vadd.f32 v3, v4;
	v59 =	vmul.f32 v18, v11;
	v58 =	vmul.f32 v8, v20  }
0xfe: {  	v5 =	vmul.f32 v50, v50;
	v7 =	vadd.f32 v57, v7;
	v6 =	vmul.f32 v10, v6  }
0xff: {  	v3 =	vadd.f32 v59, v3;
	v2 =	vmul.f32 v10, v13;
	v60 =	vmul.f32 v58, v12  }
0x100: {  	v7 =	vmul.f32 v10, v7;
	v6 =	vmul.f32 v58, v6  }
0x101: {  	v1 =	vadd.f32 v5, v1;
	v61 =	vmul.f32 v11, v11;
	v3 =	vmul.f32 v58, v3  }
0x102: {  	v2 =	vmul.f32 v2, v10;
	v62 =	vmul.f32 v60, v58;
	v6 =	vsub.f32 v7, v6  }
0x103: {  	v1 =	vadd.f32 v61, v1  }
0x104: {  	v2 =	vadd.f32 v62, v2;
	v3 =	vsub.f32 v6, v3;
	_ =	sdelay $0x1  }
0x105: {  	v1 =	vadd.f32 v2, v1;
	v2 =	vadd.f32 v3, v3;
	_ =	sdelay $0x1  }
0x106: {  	v1 =	vadd.f32 v2, v1;
	_ =	sdelay $0x1  }
0x107: {  	v2 =	vmax.f32 v1, $1.000000020e-24  }
0x108: {  	v3 =	vshra.s32 v2, $0x1;
	v2 =	vmul.f32 $5.000000000e-01, v2  }
0x109: {  	v3 =	vsub.s32 $0x5F3759DF, v3  }
0x10a: {  	v63 =	vmul.f32 v3, v2;
	_ =	sdelay $0x1  }
0x10b: {  	v4 =	vmul.f32 v3, v63;
	_ =	sdelay $0x1  }
0x10c: {  	v4 =	vsub.f32 $1.500000000e+00, v4;
	_ =	sdelay $0x1  }
0x10d: {  	v3 =	vmul.f32 v3, v4;
	_ =	sdelay $0x1  }
0x10e: {  	v4 =	vmul.f32 v3, v2;
	_ =	sdelay $0x1  }
0x10f: {  	v4 =	vmul.f32 v4, v3;
	_ =	sdelay $0x1  }
0x110: {  	v4 =	vsub.f32 $1.500000000e+00, v4;
	_ =	sdelay $0x1  }
0x111: {  	v3 =	vmul.f32 v4, v3;
	_ =	sdelay $0x1  }
0x112: {  	v2 =	vmul.f32 v3, v2;
	_ =	sdelay $0x1  }
0x113: {  	v2 =	vmul.f32 v2, v3;
	_ =	sdelay $0x1  }
0x114: {  	v2 =	vsub.f32 $1.500000000e+00, v2;
	_ =	sdelay $0x1  }
0x115: {  	s20 =	sadd.s32 $0x1, s20;
	v2 =	vmul.f32 v2, v3  }
0x116: {  	p0 =	sne.s32 s20, $0x8;
	v1 =	vmax.f32 v1, $0.0e+00  }
.Ltmp3:
0x117: {  	v1 =	vmul.f32 v2, v1;
	(pc) =	sbr.rel @p0 .LBB2_6-.Ltmp3, $3  }
0x118: {  	_ = 	snop  }
0x119: {  	v1 =	vsub.f32 $0.0e+00, v1;
	_ =	sdelay $0x1  }
0x11a: {  	[tilespmem:s9+$0x6680] =	vst v1  }
0x11b: {  	[tilespmem:s0], [sflag:$0x1] =	stream.indirect.gather [hbm4b:s3+s22], $0x40, s25, s22, $0xb8;
	[tilespmem:$0x6800] =	vst v63  }
0x11c: {  	_ = 	snop  }
0x11d: {  	[tilespmem:s2], [sflag:$0x1] =	stream.indirect.gather [hbm4b:s4+s22], $0x40, s26, s22, $0xb8;
	[tilespmem:$0x6800] =	vst v63  }
0x11e: {  	_ = 	snop  }
0x11f: {  	[tilespmem:s5], [sflag:$0x1] =	stream.indirect.gather [hbm4b:s3+s22], $0x40, s28, s22, $0xb8;
	[tilespmem:$0x6800] =	vst v63  }
0x120: {  	_ =	swait.ge [sflag:s6], $0x2000  }
0x121: {  	[sflag:s6] =	ssyncset.done $0x0  }
0x122: {  	[sflag:s6] =	ssyncadd.s32 $0xFFFFE000  }
0x123: {  	_ =	swait.ge [sflag:s6], $0x2000  }
0x124: {  	[sflag:s6] =	ssyncset.done $0x0  }
0x125: {  	[sflag:s6] =	ssyncadd.s32 $0xFFFFE000  }
0x126: {  	_ =	swait.ge [sflag:s6], $0x2000  }
0x127: {  	[sflag:s6] =	ssyncset.done $0x0  }
0x128: {  	s8 =	simm.s32 $0x0;
	s20 =	simm.s32 $0x0;
	[sflag:s6] =	ssyncadd.s32 $0xFFFFE000  }
.LBB2_10:
0x129: {  	s9 =	sshll.u32 s20, $0x4;
	v1 =	vmov s8  }
0x12a: {  	v2 =	vmov s9;
	v1 =	vand.u32 $0x3F, v1  }
0x12b: {  	v2 =	vshll.u32 v2, $0x6;
	v1 =	vbroadcast v1, $0x0  }
0x12c: {  	v11 =	vor.u32 v0, v2  }
0x12d: {  	v1 =	vor.u32 v11, v1  }
0x12e: {  	s10 =	simm.s32 $0x1  }
0x12f: {  	v2 =	vmov s10  }
0x130: {  	v2 =	vand.u32 $0x3F, v2  }
0x131: {  	v2 =	vbroadcast v2, $0x0  }
0x132: {  	s21 =	simm.s32 $0x2;
	v8 =	vld.idx.msk [tilespmem:v1+s5+$0x0], $0xffff  }
0x133: {  	v5 =	vor.u32 v11, v2;
	v2 =	vmov s21;
	v9 =	vld.idx.msk [tilespmem:v1+s0+$0x0], $0xffff  }
0x134: {  	v2 =	vand.u32 $0x3F, v2  }
0x135: {  	v16 =	vbroadcast v2, $0x0;
	v2 =	vld.idx.msk [tilespmem:v1+s2+$0x0], $0xffff  }
0x136: {  	v12 =	vimm.f32 $0.0e+00;
	v6 =	vimm.f32 $0.0e+00  }
0x137: {  	v13 =	vimm.f32 $0.0e+00;
	v4 =	vimm.f32 $0.0e+00;
	v7 =	vimm.f32 $0.0e+00  }
0x138: {  	s21 =	simm.s32 $0x3;
	v1 =	vimm.f32 $0.0e+00;
	v3 =	vld.idx.msk [tilespmem:v5+s5+$0x0], $0xffff;
	v15 =	vmul.f32 v8, v8;
	v10 =	vmul.f32 v8, v9;
	v14 =	vmovc v9  }
.LBB2_11:
0x139: {  	v17 =	vmul.f32 v14, v9  }
0x13a: {  	p0 =	sne.s32 s21, $0x3F;
	v14 =	vld.idx.msk [tilespmem:v5+s0+$0x0], $0xffff;
	v12 =	vadd.f32 v15, v12;
	v15 =	vmul.f32 v2, v2;
	v18 =	vmov v2;
	s10 =	smov.u32 s21;
	s21 =	sadd.s32 $0x1, s21  }
0x13b: {  	v2 =	vld.idx.msk [tilespmem:v5+s2+$0x0], $0xffff;
	v5 =	vor.u32 v11, v16;
	v6 =	vadd.f32 v10, v6;
	v8 =	vmul.f32 v8, v18  }
.Ltmp4:
0x13c: {  	v9 =	vmul.f32 v18, v9;
	v13 =	vadd.f32 v17, v13;
	v1 =	vadd.f32 v15, v1;
	(pc) =	sbr.rel @p0 .LBB2_11-.Ltmp4, $4  }
0x13d: {  	v4 =	vadd.f32 v8, v4  }
0x13e: {  	v10 =	vmov s10;
	v7 =	vadd.f32 v9, v7  }
0x13f: {  	v17 =	vand.u32 $0x3F, v10;
	v15 =	vmul.f32 v3, v3;
	v8 =	vmov v3  }
0x140: {  	v16 =	vbroadcast v17, $0x0;
	v9 =	vmov v14;
	v3 =	vld.idx.msk [tilespmem:v5+s5+$0x0], $0xffff;
	v10 =	vmul.f32 v8, v14  }
0x141: {  	_ = 	snop  }
0x142: {  	v11 =	vor.u32 v11, v16;
	_ =	sdelay $0x2  }
0x143: {  	v44 =	vld.idx.msk [tilespmem:v5+s0+$0x0], $0xffff;
	_ =	sdelay $0x1  }
0x144: {  	v17 =	vld.idx.msk [tilespmem:v11+s0+$0x0], $0xffff  }
0x145: {  	v14 =	vmul.f32 v14, v9;
	v18 =	vld.idx.msk [tilespmem:v11+s5+$0x0], $0xffff;
	_ =	sdelay $0x1  }
0x146: {  	v13 =	vadd.f32 v14, v13;
	v45 =	vmul.f32 v44, v44  }
0x147: {  	v12 =	vadd.f32 v15, v12;
	v46 =	vmul.f32 v3, v3  }
0x148: {  	v13 =	vadd.f32 v45, v13;
	v47 =	vmul.f32 v17, v17  }
0x149: {  	v12 =	vadd.f32 v46, v12;
	v48 =	vmul.f32 v18, v18  }
0x14a: {  	v13 =	vadd.f32 v47, v13  }
0x14b: {  	v12 =	vadd.f32 v48, v12  }
0x14c: {  	v14 =	vmax.f32 v13, $1.000000020e-24  }
0x14d: {  	v19 =	vmax.f32 v12, $1.000000020e-24;
	v49 =	vshra.s32 v14, $0x1;
	v14 =	vmul.f32 $5.000000000e-01, v14  }
0x14e: {  	v20 =	vshra.s32 v19, $0x1;
	v19 =	vmul.f32 $5.000000000e-01, v19;
	v15 =	vsub.s32 $0x5F3759DF, v49  }
0x14f: {  	v20 =	vsub.s32 $0x5F3759DF, v20;
	v21 =	vmul.f32 v15, v14  }
0x150: {  	v22 =	vmul.f32 v20, v19  }
0x151: {  	v21 =	vmul.f32 v15, v21  }
0x152: {  	v22 =	vmul.f32 v20, v22  }
0x153: {  	v21 =	vsub.f32 $1.500000000e+00, v21  }
0x154: {  	v22 =	vsub.f32 $1.500000000e+00, v22  }
0x155: {  	v15 =	vmul.f32 v15, v21  }
0x156: {  	v20 =	vmul.f32 v20, v22  }
0x157: {  	v21 =	vmul.f32 v15, v14  }
0x158: {  	v22 =	vmul.f32 v20, v19  }
0x159: {  	v21 =	vmul.f32 v21, v15  }
0x15a: {  	v22 =	vmul.f32 v22, v20  }
0x15b: {  	v21 =	vsub.f32 $1.500000000e+00, v21  }
0x15c: {  	v22 =	vsub.f32 $1.500000000e+00, v22  }
0x15d: {  	v50 =	vld.idx.msk [tilespmem:v5+s2+$0x0], $0xffff;
	v8 =	vmul.f32 v8, v2;
	v15 =	vmul.f32 v21, v15  }
0x15e: {  	v51 =	vmul.f32 v2, v9;
	v20 =	vmul.f32 v22, v20  }
0x15f: {  	v2 =	vmul.f32 v2, v2;
	v14 =	vmul.f32 v15, v14  }
0x160: {  	v6 =	vadd.f32 v10, v6;
	v7 =	vadd.f32 v51, v7;
	v11 =	vld.idx.msk [tilespmem:v11+s2+$0x0], $0xffff;
	v19 =	vmul.f32 v20, v19  }
0x161: {  	v4 =	vadd.f32 v8, v4;
	v52 =	vmul.f32 v3, v44;
	v14 =	vmul.f32 v14, v15  }
0x162: {  	v1 =	vadd.f32 v2, v1;
	v53 =	vmul.f32 v50, v44;
	v54 =	vmul.f32 v19, v20  }
0x163: {  	v6 =	vadd.f32 v52, v6;
	v55 =	vmul.f32 v18, v17;
	v56 =	vsub.f32 $1.500000000e+00, v14  }
0x164: {  	v3 =	vmul.f32 v3, v50;
	v7 =	vadd.f32 v53, v7;
	v8 =	vsub.f32 $1.500000000e+00, v54  }
0x165: {  	v57 =	vmul.f32 v11, v17;
	v6 =	vadd.f32 v55, v6;
	v10 =	vmul.f32 v56, v15  }
0x166: {  	v3 =	vadd.f32 v3, v4;
	v59 =	vmul.f32 v18, v11;
	v58 =	vmul.f32 v8, v20  }
0x167: {  	v5 =	vmul.f32 v50, v50;
	v7 =	vadd.f32 v57, v7;
	v6 =	vmul.f32 v10, v6  }
0x168: {  	v3 =	vadd.f32 v59, v3;
	v2 =	vmul.f32 v10, v13;
	v60 =	vmul.f32 v58, v12  }
0x169: {  	v7 =	vmul.f32 v10, v7;
	v6 =	vmul.f32 v58, v6  }
0x16a: {  	v1 =	vadd.f32 v5, v1;
	v61 =	vmul.f32 v11, v11;
	v3 =	vmul.f32 v58, v3  }
0x16b: {  	v2 =	vmul.f32 v2, v10;
	v62 =	vmul.f32 v60, v58;
	v6 =	vsub.f32 v7, v6  }
0x16c: {  	v1 =	vadd.f32 v61, v1  }
0x16d: {  	v2 =	vadd.f32 v62, v2;
	v3 =	vsub.f32 v6, v3;
	_ =	sdelay $0x1  }
0x16e: {  	v1 =	vadd.f32 v2, v1;
	v2 =	vadd.f32 v3, v3;
	_ =	sdelay $0x1  }
0x16f: {  	v1 =	vadd.f32 v2, v1;
	_ =	sdelay $0x1  }
0x170: {  	v2 =	vmax.f32 v1, $1.000000020e-24  }
0x171: {  	v3 =	vshra.s32 v2, $0x1;
	v2 =	vmul.f32 $5.000000000e-01, v2  }
0x172: {  	v3 =	vsub.s32 $0x5F3759DF, v3  }
0x173: {  	v63 =	vmul.f32 v3, v2;
	_ =	sdelay $0x1  }
0x174: {  	v4 =	vmul.f32 v3, v63;
	_ =	sdelay $0x1  }
0x175: {  	v4 =	vsub.f32 $1.500000000e+00, v4;
	_ =	sdelay $0x1  }
0x176: {  	v3 =	vmul.f32 v3, v4;
	_ =	sdelay $0x1  }
0x177: {  	v4 =	vmul.f32 v3, v2;
	_ =	sdelay $0x1  }
0x178: {  	v4 =	vmul.f32 v4, v3;
	_ =	sdelay $0x1  }
0x179: {  	v4 =	vsub.f32 $1.500000000e+00, v4;
	_ =	sdelay $0x1  }
0x17a: {  	v3 =	vmul.f32 v4, v3;
	_ =	sdelay $0x1  }
0x17b: {  	v2 =	vmul.f32 v3, v2;
	_ =	sdelay $0x1  }
0x17c: {  	v2 =	vmul.f32 v2, v3;
	_ =	sdelay $0x1  }
0x17d: {  	v2 =	vsub.f32 $1.500000000e+00, v2;
	_ =	sdelay $0x1  }
0x17e: {  	s20 =	sadd.s32 $0x1, s20;
	v2 =	vmul.f32 v2, v3  }
0x17f: {  	p0 =	sne.s32 s20, $0x8;
	v1 =	vmax.f32 v1, $0.0e+00  }
.Ltmp5:
0x180: {  	v1 =	vmul.f32 v2, v1;
	(pc) =	sbr.rel @p0 .LBB2_10-.Ltmp5, $3  }
0x181: {  	_ = 	snop  }
0x182: {  	v1 =	vsub.f32 $0.0e+00, v1;
	_ =	sdelay $0x1  }
0x183: {  	[tilespmem:s9+$0x6700] =	vst v1  }
0x184: {  	[tilespmem:s0], [sflag:$0x1] =	stream.indirect.gather [hbm4b:s3+s22], $0x40, s29, s22, $0xb8;
	[tilespmem:$0x6800] =	vst v63  }
0x185: {  	_ = 	snop  }
0x186: {  	[tilespmem:s2], [sflag:$0x1] =	stream.indirect.gather [hbm4b:s4+s22], $0x40, s30, s22, $0xb8;
	[tilespmem:$0x6800] =	vst v63  }
0x187: {  	_ = 	snop  }
0x188: {  	[tilespmem:s5], [sflag:$0x1] =	stream.indirect.gather [hbm4b:s3+s22], $0x40, s31, s22, $0xb8;
	[tilespmem:$0x6800] =	vst v63  }
0x189: {  	_ =	swait.ge [sflag:s6], $0x2000  }
0x18a: {  	[sflag:s6] =	ssyncset.done $0x0  }
0x18b: {  	[sflag:s6] =	ssyncadd.s32 $0xFFFFE000  }
0x18c: {  	_ =	swait.ge [sflag:s6], $0x2000  }
0x18d: {  	[sflag:s6] =	ssyncset.done $0x0  }
0x18e: {  	[sflag:s6] =	ssyncadd.s32 $0xFFFFE000  }
0x18f: {  	_ =	swait.ge [sflag:s6], $0x2000  }
0x190: {  	[sflag:s6] =	ssyncset.done $0x0  }
0x191: {  	s8 =	simm.s32 $0x0;
	s20 =	simm.s32 $0x0;
	[sflag:s6] =	ssyncadd.s32 $0xFFFFE000  }
.LBB2_14:
0x192: {  	s9 =	sshll.u32 s20, $0x4;
	v1 =	vmov s8  }
0x193: {  	v2 =	vmov s9;
	v1 =	vand.u32 $0x3F, v1  }
0x194: {  	v2 =	vshll.u32 v2, $0x6;
	v1 =	vbroadcast v1, $0x0  }
0x195: {  	v11 =	vor.u32 v0, v2  }
0x196: {  	v1 =	vor.u32 v11, v1  }
0x197: {  	s10 =	simm.s32 $0x1  }
0x198: {  	v2 =	vmov s10  }
0x199: {  	v2 =	vand.u32 $0x3F, v2  }
0x19a: {  	v2 =	vbroadcast v2, $0x0  }
0x19b: {  	s21 =	simm.s32 $0x2;
	v8 =	vld.idx.msk [tilespmem:v1+s5+$0x0], $0xffff  }
0x19c: {  	v5 =	vor.u32 v11, v2;
	v2 =	vmov s21;
	v9 =	vld.idx.msk [tilespmem:v1+s0+$0x0], $0xffff  }
0x19d: {  	v2 =	vand.u32 $0x3F, v2  }
0x19e: {  	v16 =	vbroadcast v2, $0x0;
	v2 =	vld.idx.msk [tilespmem:v1+s2+$0x0], $0xffff  }
0x19f: {  	v12 =	vimm.f32 $0.0e+00;
	v6 =	vimm.f32 $0.0e+00  }
0x1a0: {  	v13 =	vimm.f32 $0.0e+00;
	v4 =	vimm.f32 $0.0e+00;
	v7 =	vimm.f32 $0.0e+00  }
0x1a1: {  	s21 =	simm.s32 $0x3;
	v1 =	vimm.f32 $0.0e+00;
	v3 =	vld.idx.msk [tilespmem:v5+s5+$0x0], $0xffff;
	v15 =	vmul.f32 v8, v8;
	v10 =	vmul.f32 v8, v9;
	v14 =	vmovc v9  }
.LBB2_15:
0x1a2: {  	v17 =	vmul.f32 v14, v9  }
0x1a3: {  	p0 =	sne.s32 s21, $0x3F;
	v14 =	vld.idx.msk [tilespmem:v5+s0+$0x0], $0xffff;
	v12 =	vadd.f32 v15, v12;
	v15 =	vmul.f32 v2, v2;
	v18 =	vmov v2;
	s10 =	smov.u32 s21;
	s21 =	sadd.s32 $0x1, s21  }
0x1a4: {  	v2 =	vld.idx.msk [tilespmem:v5+s2+$0x0], $0xffff;
	v5 =	vor.u32 v11, v16;
	v6 =	vadd.f32 v10, v6;
	v8 =	vmul.f32 v8, v18  }
.Ltmp6:
0x1a5: {  	v9 =	vmul.f32 v18, v9;
	v13 =	vadd.f32 v17, v13;
	v1 =	vadd.f32 v15, v1;
	(pc) =	sbr.rel @p0 .LBB2_15-.Ltmp6, $4  }
0x1a6: {  	v4 =	vadd.f32 v8, v4  }
0x1a7: {  	v10 =	vmov s10;
	v7 =	vadd.f32 v9, v7  }
0x1a8: {  	v17 =	vand.u32 $0x3F, v10;
	v15 =	vmul.f32 v3, v3;
	v8 =	vmov v3  }
0x1a9: {  	v16 =	vbroadcast v17, $0x0;
	v9 =	vmov v14;
	v3 =	vld.idx.msk [tilespmem:v5+s5+$0x0], $0xffff;
	v10 =	vmul.f32 v8, v14  }
0x1aa: {  	_ = 	snop  }
0x1ab: {  	v11 =	vor.u32 v11, v16;
	_ =	sdelay $0x2  }
0x1ac: {  	v44 =	vld.idx.msk [tilespmem:v5+s0+$0x0], $0xffff;
	_ =	sdelay $0x1  }
0x1ad: {  	v17 =	vld.idx.msk [tilespmem:v11+s0+$0x0], $0xffff  }
0x1ae: {  	v14 =	vmul.f32 v14, v9;
	v18 =	vld.idx.msk [tilespmem:v11+s5+$0x0], $0xffff;
	_ =	sdelay $0x1  }
0x1af: {  	v13 =	vadd.f32 v14, v13;
	v45 =	vmul.f32 v44, v44  }
0x1b0: {  	v12 =	vadd.f32 v15, v12;
	v46 =	vmul.f32 v3, v3  }
0x1b1: {  	v13 =	vadd.f32 v45, v13;
	v47 =	vmul.f32 v17, v17  }
0x1b2: {  	v12 =	vadd.f32 v46, v12;
	v48 =	vmul.f32 v18, v18  }
0x1b3: {  	v13 =	vadd.f32 v47, v13  }
0x1b4: {  	v12 =	vadd.f32 v48, v12  }
0x1b5: {  	v14 =	vmax.f32 v13, $1.000000020e-24  }
0x1b6: {  	v19 =	vmax.f32 v12, $1.000000020e-24;
	v49 =	vshra.s32 v14, $0x1;
	v14 =	vmul.f32 $5.000000000e-01, v14  }
0x1b7: {  	v20 =	vshra.s32 v19, $0x1;
	v19 =	vmul.f32 $5.000000000e-01, v19;
	v15 =	vsub.s32 $0x5F3759DF, v49  }
0x1b8: {  	v20 =	vsub.s32 $0x5F3759DF, v20;
	v21 =	vmul.f32 v15, v14  }
0x1b9: {  	v22 =	vmul.f32 v20, v19  }
0x1ba: {  	v21 =	vmul.f32 v15, v21  }
0x1bb: {  	v22 =	vmul.f32 v20, v22  }
0x1bc: {  	v21 =	vsub.f32 $1.500000000e+00, v21  }
0x1bd: {  	v22 =	vsub.f32 $1.500000000e+00, v22  }
0x1be: {  	v15 =	vmul.f32 v15, v21  }
0x1bf: {  	v20 =	vmul.f32 v20, v22  }
0x1c0: {  	v21 =	vmul.f32 v15, v14  }
0x1c1: {  	v22 =	vmul.f32 v20, v19  }
0x1c2: {  	v21 =	vmul.f32 v21, v15  }
0x1c3: {  	v22 =	vmul.f32 v22, v20  }
0x1c4: {  	v21 =	vsub.f32 $1.500000000e+00, v21  }
0x1c5: {  	v22 =	vsub.f32 $1.500000000e+00, v22  }
0x1c6: {  	v50 =	vld.idx.msk [tilespmem:v5+s2+$0x0], $0xffff;
	v8 =	vmul.f32 v8, v2;
	v15 =	vmul.f32 v21, v15  }
0x1c7: {  	v51 =	vmul.f32 v2, v9;
	v20 =	vmul.f32 v22, v20  }
0x1c8: {  	v2 =	vmul.f32 v2, v2;
	v14 =	vmul.f32 v15, v14  }
0x1c9: {  	v6 =	vadd.f32 v10, v6;
	v7 =	vadd.f32 v51, v7;
	v11 =	vld.idx.msk [tilespmem:v11+s2+$0x0], $0xffff;
	v19 =	vmul.f32 v20, v19  }
0x1ca: {  	v4 =	vadd.f32 v8, v4;
	v52 =	vmul.f32 v3, v44;
	v14 =	vmul.f32 v14, v15  }
0x1cb: {  	v1 =	vadd.f32 v2, v1;
	v53 =	vmul.f32 v50, v44;
	v54 =	vmul.f32 v19, v20  }
0x1cc: {  	v6 =	vadd.f32 v52, v6;
	v55 =	vmul.f32 v18, v17;
	v56 =	vsub.f32 $1.500000000e+00, v14  }
0x1cd: {  	v3 =	vmul.f32 v3, v50;
	v7 =	vadd.f32 v53, v7;
	v8 =	vsub.f32 $1.500000000e+00, v54  }
0x1ce: {  	v57 =	vmul.f32 v11, v17;
	v6 =	vadd.f32 v55, v6;
	v10 =	vmul.f32 v56, v15  }
0x1cf: {  	v3 =	vadd.f32 v3, v4;
	v59 =	vmul.f32 v18, v11;
	v58 =	vmul.f32 v8, v20  }
0x1d0: {  	v5 =	vmul.f32 v50, v50;
	v7 =	vadd.f32 v57, v7;
	v6 =	vmul.f32 v10, v6  }
0x1d1: {  	v3 =	vadd.f32 v59, v3;
	v2 =	vmul.f32 v10, v13;
	v60 =	vmul.f32 v58, v12  }
0x1d2: {  	v7 =	vmul.f32 v10, v7;
	v6 =	vmul.f32 v58, v6  }
0x1d3: {  	v1 =	vadd.f32 v5, v1;
	v61 =	vmul.f32 v11, v11;
	v3 =	vmul.f32 v58, v3  }
0x1d4: {  	v2 =	vmul.f32 v2, v10;
	v62 =	vmul.f32 v60, v58;
	v6 =	vsub.f32 v7, v6  }
0x1d5: {  	v1 =	vadd.f32 v61, v1  }
0x1d6: {  	v2 =	vadd.f32 v62, v2;
	v3 =	vsub.f32 v6, v3;
	_ =	sdelay $0x1  }
0x1d7: {  	v1 =	vadd.f32 v2, v1;
	v2 =	vadd.f32 v3, v3;
	_ =	sdelay $0x1  }
0x1d8: {  	v1 =	vadd.f32 v2, v1;
	_ =	sdelay $0x1  }
0x1d9: {  	v2 =	vmax.f32 v1, $1.000000020e-24  }
0x1da: {  	v3 =	vshra.s32 v2, $0x1;
	v2 =	vmul.f32 $5.000000000e-01, v2  }
0x1db: {  	v3 =	vsub.s32 $0x5F3759DF, v3  }
0x1dc: {  	v63 =	vmul.f32 v3, v2;
	_ =	sdelay $0x1  }
0x1dd: {  	v4 =	vmul.f32 v3, v63;
	_ =	sdelay $0x1  }
0x1de: {  	v4 =	vsub.f32 $1.500000000e+00, v4;
	_ =	sdelay $0x1  }
0x1df: {  	v3 =	vmul.f32 v3, v4;
	_ =	sdelay $0x1  }
0x1e0: {  	v4 =	vmul.f32 v3, v2;
	_ =	sdelay $0x1  }
0x1e1: {  	v4 =	vmul.f32 v4, v3;
	_ =	sdelay $0x1  }
0x1e2: {  	v4 =	vsub.f32 $1.500000000e+00, v4;
	_ =	sdelay $0x1  }
0x1e3: {  	v3 =	vmul.f32 v4, v3;
	_ =	sdelay $0x1  }
0x1e4: {  	v2 =	vmul.f32 v3, v2;
	_ =	sdelay $0x1  }
0x1e5: {  	v2 =	vmul.f32 v2, v3;
	_ =	sdelay $0x1  }
0x1e6: {  	v2 =	vsub.f32 $1.500000000e+00, v2;
	_ =	sdelay $0x1  }
0x1e7: {  	s20 =	sadd.s32 $0x1, s20;
	v2 =	vmul.f32 v2, v3  }
0x1e8: {  	p0 =	sne.s32 s20, $0x8;
	v1 =	vmax.f32 v1, $0.0e+00  }
.Ltmp7:
0x1e9: {  	v1 =	vmul.f32 v2, v1;
	(pc) =	sbr.rel @p0 .LBB2_14-.Ltmp7, $3  }
0x1ea: {  	_ = 	snop  }
0x1eb: {  	v1 =	vsub.f32 $0.0e+00, v1;
	_ =	sdelay $0x1  }
0x1ec: {  	[tilespmem:s9+$0x6780] =	vst v1  }
0x1ed: {  	s7 =	sadd.s32 $0x1, s7  }
0x1ee: {  	p0 =	sne.s32 s7, s18  }
.Ltmp8:
0x1ef: {  	s8 =	simm.s32 $0x6600;
	(pc) =	sbr.rel @p0 .LBB2_1-.Ltmp8, $4  }
0x1f0: {  	[hbm4b:s17+s1] =	stream.linear.scatter [tilespmem:s8], [sflag:$0x2], $0x200, $0x38;
	[tilespmem:$0x6800] =	vst v63  }
0x1f1: {  	_ =	swait.ge [sflag:s19], $0x200  }
0x1f2: {  	[sflag:s19] =	ssyncset.done $0x0  }
0x1f3: {  	[sflag:s19] =	ssyncadd.s32 $0xFFFFFE00  }
0x1f4: {  	_ =	sfence.sel $0x180000  }
0x1f5: {  	[bflag:$0x0] =	sbarrier.arrive $0xFFFF  }
0x1f6: {  	_ =	strace $0x90000047  }
0x1f7: {  	s0 =	stileid.u32;
	[bflag:$0x2] =	sbarrier.arrive $0xFFFF  }
0x1f8: {  	p0 =	sne.s32 s0, $0x0;
	s0 =	rddreg [dreg:$0x5]  }
0x1f9: {  	s0 =	sadd.s32 @!p0 $0x100000, s0  }
0x1fa: {  	[sflag:s0] =	ssyncadd.tile.s32 @!p0 $0x1;
	_ =	shalt  }
.Lfunc_end2:
_tile_overlayer_lowered:
.L_overlay_start_2:
0x1fb: {  	(tag) =	ssettag $0x2  }
0x1fc: {  	s0 =	rddreg [dreg:$0x0];
	s2 =	stileid.u32  }
0x1fd: {  	s1 =	rddreg [dreg:$0x1];
	p0 =	sne.s32 s2, $0x0  }
0x1fe: {  	s3 =	rddreg [dreg:$0x2];
	[bflag:$0x3] =	sbarrier.arrive $0xFFFF;
	s2 =	simm.s32 @!p0 $0x1C02  }
0x1ff: {  	[timem:s3], [sflag:s2] =	dma.local @!p0 [hbm:s0], s1  }
0x200: {  	s0 =	simm.s32 @!p0 $0x2  }
0x201: {  	_ =	swait.ge @!p0 [sflag:s0], s1  }
0x202: {  	s1 =	ssub.s32 @!p0 $0x0, s1;
	[sflag:s0] =	ssyncset.done @!p0 $0x0  }
0x203: {  	[sflag:s0] =	ssyncadd.s32 @!p0 s1  }
0x204: {  	[bflag:$0x3] =	sbarrier.arrive $0xFFFF  }
0x205: {  	_ =	shalt  }

</sc_bundles>
